<compile_context>
chip_gen: v7x
topology: tpu7x:2x2x1
jax: 0.10.2.dev20260603
libtpu: 0.0.44.dev20260713+nightly
codegen_flags: <defaults>
</compile_context>

<pallas_src>
import functools

import jax
import jax.numpy as jnp
from jax import lax
from jax.experimental import pallas as pl
from jax.experimental.pallas import tpu as pltpu
from jax.experimental.pallas import tpu_sc as plsc

_N = 16384
_K = 128
_LANES = 16
_NUM_CORES = 1
_NUM_SUBCORES = 16
_NW = _NUM_CORES * _NUM_SUBCORES
_PER_W = _N // _NW


@functools.partial(
    pl.kernel,
    mesh=plsc.VectorSubcoreMesh(core_axis_name="c", subcore_axis_name="s",
                                num_cores=_NUM_CORES),
    out_type=jax.ShapeDtypeStruct((_N,), jnp.int32),
    compiler_params=pltpu.CompilerParams(needs_layout_passes=False),
    scratch_types=[
        pltpu.VMEM((_PER_W,), jnp.int32),
        pltpu.VMEM((_K,), jnp.int32),
        pltpu.VMEM((_K,), jnp.int32),
        pltpu.VMEM((_PER_W,), jnp.int32),
        pltpu.SemaphoreType.DMA,
        pltpu.SemaphoreType.DMA,
    ],
)
def _encode(x_hbm, cond_hbm, out_hbm, x_v, cond_v, table_v, out_v,
            sem_x, sem_c):
    wid = lax.axis_index("s")
    base = wid * _PER_W
    cp_x = pltpu.async_copy(x_hbm.at[pl.ds(base, _PER_W)], x_v, sem_x)
    cp_c = pltpu.async_copy(cond_hbm, cond_v, sem_c)
    cp_c.wait()
    for kb in range(_K // _LANES):
        vals = cond_v[pl.ds(kb * _LANES, _LANES)]
        ks = lax.iota(jnp.int32, _LANES) + (kb * _LANES)
        plsc.store_scatter(table_v, [vals], ks)
    cp_x.wait()
    for b in range(_PER_W // _LANES):
        xv = x_v[pl.ds(b * _LANES, _LANES)]
        out_v[pl.ds(b * _LANES, _LANES)] = plsc.load_gather(table_v, [xv])
    pltpu.sync_copy(out_v, out_hbm.at[pl.ds(base, _PER_W)])


def kernel(x, condition_tensors):
    idx = _encode(x, condition_tensors)
    return idx.reshape(-1, 1, 1).astype(jnp.int64)

# --- scband reference (transcript-rebuilt; emitter-appended) ---
"""Pipeline reference for scband-string-label-encoder-12403865550879 (READ-ONLY COPY).

The authoritative reference and input builder live on the scoring server;
editing this copy changes nothing except your own understanding.
"""

import jax, jax.numpy as jnp
import numpy as np


def _build_condition_tensors():
    # Faithful replication of StringLabelEncoder.__init__ with classes = [chr(i) for i in range(128)]
    classes = [chr(i) for i in range(128)]
    max_word_length = max(max(len(c) for c in cat) for cat in classes)  # = 1
    while max_word_length % 4 != 0:
        max_word_length += 1  # -> 4
    data_type = '|S' + str(max_word_length)
    classes_conv = np.array(sorted(set(classes)), dtype=data_type).view(np.int32)
    # little-endian: encoding of chr(i) padded with nulls viewed as int32 == i
    return jnp.asarray(classes_conv)  # int32[128]


def setup_inputs(seed: int = 0) -> dict:
    key = jax.random.key(seed)
    condition_tensors = _build_condition_tensors()
    # query values: int32 codes guaranteed to exist in condition_tensors
    x = jax.random.randint(key, (16384,), 0, 128, dtype=jnp.int32)
    return {"x": x, "condition_tensors": condition_tensors}


def reference(x, condition_tensors):
    # torch forward: for each v in x.view(-1,1): (condition_tensors == v).nonzero()
    # each match is unique -> nonzero() has shape [1,1]; stacked -> [N,1,1]
    xv = x.reshape(-1, 1)                       # [N,1]
    eq = xv == condition_tensors[None, :]       # [N,K] equality scan
    idx = jnp.argmax(eq, axis=1)                # index of the (unique) match
    return idx.reshape(-1, 1, 1).astype(jnp.int64)

if __name__ == "__main__":
    import jax
    _d = setup_inputs()
    print(jax.jit(kernel)(*tuple(_d.values())))

</pallas_src>

<mosaic_0001>
#map = affine_map<(d0, d1) -> (0)>
module attributes {stable_mosaic.version = 14 : i64} {
  func.func @_encode(%arg0: i32, %arg1: i32, %arg2: memref<16384xi32, #tpu.memory_space<hbm>>, %arg3: memref<128xi32, #tpu.memory_space<hbm>>, %arg4: memref<16384xi32, #tpu.memory_space<hbm>>, %arg5: memref<1024xi32, #tpu.memory_space<vmem>>, %arg6: memref<128xi32, #tpu.memory_space<vmem>>, %arg7: memref<128xi32, #tpu.memory_space<vmem>>, %arg8: memref<1024xi32, #tpu.memory_space<vmem>>, %arg9: memref<!tpu.dma_semaphore, #tpu.memory_space<semaphore_mem>>, %arg10: memref<!tpu.dma_semaphore, #tpu.memory_space<semaphore_mem>>) attributes {dimension_semantics = [#tpu.dimension_semantics<core_parallel>, #tpu.dimension_semantics<subcore_parallel>], iteration_bounds = array<i64: 1, 16>, scalar_prefetch = 0 : i64, scratch_operands = 6 : i64, tpu.core_type = #tpu.core_type<sc_vector_subcore>, window_params = [{transform_indices = #map}, {transform_indices = #map}, {transform_indices = #map}]} {
    %mul3A = arith.constant 1024 : i32
    %mul3A_0 = arith.muli %arg1, %mul3A : i32
    %dma_start3A = tpu.memref_slice %arg2[%mul3A_0] : memref<16384xi32, #tpu.memory_space<hbm>> -> memref<1024xi32, #tpu.memory_space<hbm>>
    %dma_start3A_1 = tpu.memref_slice %arg2[%mul3A_0] : memref<16384xi32, #tpu.memory_space<hbm>> -> memref<1024xi32, #tpu.memory_space<hbm>>
    tpu.enqueue_dma source(%dma_start3A_1 : memref<1024xi32, #tpu.memory_space<hbm>>) target(%arg5 : memref<1024xi32, #tpu.memory_space<vmem>>) target_semaphore(%arg9 : memref<!tpu.dma_semaphore, #tpu.memory_space<semaphore_mem>>)
    tpu.enqueue_dma source(%arg3 : memref<128xi32, #tpu.memory_space<hbm>>) target(%arg6 : memref<128xi32, #tpu.memory_space<vmem>>) target_semaphore(%arg10 : memref<!tpu.dma_semaphore, #tpu.memory_space<semaphore_mem>>)
    tpu.wait_dma2 semaphore(%arg10 : memref<!tpu.dma_semaphore, #tpu.memory_space<semaphore_mem>>) src(%arg3 : memref<128xi32, #tpu.memory_space<hbm>>) dst(%arg6 : memref<128xi32, #tpu.memory_space<vmem>>)
    %get3A = arith.constant 0 : index
    %get3A_2 = tpu.vector_load %arg6[%get3A] {strides = array<i32>} : memref<128xi32, #tpu.memory_space<vmem>>, vector<16xi32>,
    %iota3A = tpu.iota {dimensions = array<i32: 0>} : vector<16xi32>
    %add3A = arith.constant 0 : i32
    %add3A_3 = vector.broadcast %add3A : i32 to vector<16xi32>
    %add3A_4 = arith.addi %iota3A, %add3A_3 : vector<16xi32>
    tpu.vector_store_idx %arg7[%get3A_2], %add3A_4 : memref<128xi32, #tpu.memory_space<vmem>>[vector<16xi32>], vector<16xi32>,
    %get3A_5 = arith.constant 16 : index
    %get3A_6 = tpu.vector_load %arg6[%get3A_5] {strides = array<i32>} : memref<128xi32, #tpu.memory_space<vmem>>, vector<16xi32>,
    %iota3A_7 = tpu.iota {dimensions = array<i32: 0>} : vector<16xi32>
    %add3A_8 = arith.constant 16 : i32
    %add3A_9 = vector.broadcast %add3A_8 : i32 to vector<16xi32>
    %add3A_10 = arith.addi %iota3A_7, %add3A_9 : vector<16xi32>
    tpu.vector_store_idx %arg7[%get3A_6], %add3A_10 : memref<128xi32, #tpu.memory_space<vmem>>[vector<16xi32>], vector<16xi32>,
    %get3A_11 = arith.constant 32 : index
    %get3A_12 = tpu.vector_load %arg6[%get3A_11] {strides = array<i32>} : memref<128xi32, #tpu.memory_space<vmem>>, vector<16xi32>,
    %iota3A_13 = tpu.iota {dimensions = array<i32: 0>} : vector<16xi32>
    %add3A_14 = arith.constant 32 : i32
    %add3A_15 = vector.broadcast %add3A_14 : i32 to vector<16xi32>
    %add3A_16 = arith.addi %iota3A_13, %add3A_15 : vector<16xi32>
    tpu.vector_store_idx %arg7[%get3A_12], %add3A_16 : memref<128xi32, #tpu.memory_space<vmem>>[vector<16xi32>], vector<16xi32>,
    %get3A_17 = arith.constant 48 : index
    %get3A_18 = tpu.vector_load %arg6[%get3A_17] {strides = array<i32>} : memref<128xi32, #tpu.memory_space<vmem>>, vector<16xi32>,
    %iota3A_19 = tpu.iota {dimensions = array<i32: 0>} : vector<16xi32>
    %add3A_20 = arith.constant 48 : i32
    %add3A_21 = vector.broadcast %add3A_20 : i32 to vector<16xi32>
    %add3A_22 = arith.addi %iota3A_19, %add3A_21 : vector<16xi32>
    tpu.vector_store_idx %arg7[%get3A_18], %add3A_22 : memref<128xi32, #tpu.memory_space<vmem>>[vector<16xi32>], vector<16xi32>,
    %get3A_23 = arith.constant 64 : index
    %get3A_24 = tpu.vector_load %arg6[%get3A_23] {strides = array<i32>} : memref<128xi32, #tpu.memory_space<vmem>>, vector<16xi32>,
    %iota3A_25 = tpu.iota {dimensions = array<i32: 0>} : vector<16xi32>
    %add3A_26 = arith.constant 64 : i32
    %add3A_27 = vector.broadcast %add3A_26 : i32 to vector<16xi32>
    %add3A_28 = arith.addi %iota3A_25, %add3A_27 : vector<16xi32>
    tpu.vector_store_idx %arg7[%get3A_24], %add3A_28 : memref<128xi32, #tpu.memory_space<vmem>>[vector<16xi32>], vector<16xi32>,
    %get3A_29 = arith.constant 80 : index
    %get3A_30 = tpu.vector_load %arg6[%get3A_29] {strides = array<i32>} : memref<128xi32, #tpu.memory_space<vmem>>, vector<16xi32>,
    %iota3A_31 = tpu.iota {dimensions = array<i32: 0>} : vector<16xi32>
    %add3A_32 = arith.constant 80 : i32
    %add3A_33 = vector.broadcast %add3A_32 : i32 to vector<16xi32>
    %add3A_34 = arith.addi %iota3A_31, %add3A_33 : vector<16xi32>
    tpu.vector_store_idx %arg7[%get3A_30], %add3A_34 : memref<128xi32, #tpu.memory_space<vmem>>[vector<16xi32>], vector<16xi32>,
    %get3A_35 = arith.constant 96 : index
    %get3A_36 = tpu.vector_load %arg6[%get3A_35] {strides = array<i32>} : memref<128xi32, #tpu.memory_space<vmem>>, vector<16xi32>,
    %iota3A_37 = tpu.iota {dimensions = array<i32: 0>} : vector<16xi32>
    %add3A_38 = arith.constant 96 : i32
    %add3A_39 = vector.broadcast %add3A_38 : i32 to vector<16xi32>
    %add3A_40 = arith.addi %iota3A_37, %add3A_39 : vector<16xi32>
    tpu.vector_store_idx %arg7[%get3A_36], %add3A_40 : memref<128xi32, #tpu.memory_space<vmem>>[vector<16xi32>], vector<16xi32>,
    %get3A_41 = arith.constant 112 : index
    %get3A_42 = tpu.vector_load %arg6[%get3A_41] {strides = array<i32>} : memref<128xi32, #tpu.memory_space<vmem>>, vector<16xi32>,
    %iota3A_43 = tpu.iota {dimensions = array<i32: 0>} : vector<16xi32>
    %add3A_44 = arith.constant 112 : i32
    %add3A_45 = vector.broadcast %add3A_44 : i32 to vector<16xi32>
    %add3A_46 = arith.addi %iota3A_43, %add3A_45 : vector<16xi32>
    tpu.vector_store_idx %arg7[%get3A_42], %add3A_46 : memref<128xi32, #tpu.memory_space<vmem>>[vector<16xi32>], vector<16xi32>,
    %dma_wait3A = tpu.memref_slice %arg2[%mul3A_0] : memref<16384xi32, #tpu.memory_space<hbm>> -> memref<1024xi32, #tpu.memory_space<hbm>>
    %dma_wait3A_47 = tpu.memref_slice %arg2[%mul3A_0] : memref<16384xi32, #tpu.memory_space<hbm>> -> memref<1024xi32, #tpu.memory_space<hbm>>
    tpu.wait_dma2 semaphore(%arg9 : memref<!tpu.dma_semaphore, #tpu.memory_space<semaphore_mem>>) src(%dma_wait3A_47 : memref<1024xi32, #tpu.memory_space<hbm>>) dst(%arg5 : memref<1024xi32, #tpu.memory_space<vmem>>)
    %get3A_48 = arith.constant 0 : index
    %get3A_49 = tpu.vector_load %arg5[%get3A_48] {strides = array<i32>} : memref<1024xi32, #tpu.memory_space<vmem>>, vector<16xi32>,
    %gather3A = tpu.vector_load_idx %arg7[%get3A_49] : memref<128xi32, #tpu.memory_space<vmem>>[vector<16xi32>], vector<16xi32>,
    %swap3A = arith.constant 0 : index
    %swap3A_50 = tpu.vector_load %arg8[%swap3A] {strides = array<i32>} : memref<1024xi32, #tpu.memory_space<vmem>>, vector<16xi32>,
    tpu.vector_store %arg8[%swap3A], %gather3A {strides = array<i32>} : memref<1024xi32, #tpu.memory_space<vmem>>, vector<16xi32>,
    %get3A_51 = arith.constant 16 : index
    %get3A_52 = tpu.vector_load %arg5[%get3A_51] {strides = array<i32>} : memref<1024xi32, #tpu.memory_space<vmem>>, vector<16xi32>,
    %gather3A_53 = tpu.vector_load_idx %arg7[%get3A_52] : memref<128xi32, #tpu.memory_space<vmem>>[vector<16xi32>], vector<16xi32>,
    %swap3A_54 = arith.constant 16 : index
    %swap3A_55 = tpu.vector_load %arg8[%swap3A_54] {strides = array<i32>} : memref<1024xi32, #tpu.memory_space<vmem>>, vector<16xi32>,
    tpu.vector_store %arg8[%swap3A_54], %gather3A_53 {strides = array<i32>} : memref<1024xi32, #tpu.memory_space<vmem>>, vector<16xi32>,
    %get3A_56 = arith.constant 32 : index
    %get3A_57 = tpu.vector_load %arg5[%get3A_56] {strides = array<i32>} : memref<1024xi32, #tpu.memory_space<vmem>>, vector<16xi32>,
    %gather3A_58 = tpu.vector_load_idx %arg7[%get3A_57] : memref<128xi32, #tpu.memory_space<vmem>>[vector<16xi32>], vector<16xi32>,
    %swap3A_59 = arith.constant 32 : index
    %swap3A_60 = tpu.vector_load %arg8[%swap3A_59] {strides = array<i32>} : memref<1024xi32, #tpu.memory_space<vmem>>, vector<16xi32>,
    tpu.vector_store %arg8[%swap3A_59], %gather3A_58 {strides = array<i32>} : memref<1024xi32, #tpu.memory_space<vmem>>, vector<16xi32>,
    %get3A_61 = arith.constant 48 : index
    %get3A_62 = tpu.vector_load %arg5[%get3A_61] {strides = array<i32>} : memref<1024xi32, #tpu.memory_space<vmem>>, vector<16xi32>,
    %gather3A_63 = tpu.vector_load_idx %arg7[%get3A_62] : memref<128xi32, #tpu.memory_space<vmem>>[vector<16xi32>], vector<16xi32>,
    %swap3A_64 = arith.constant 48 : index
    %swap3A_65 = tpu.vector_load %arg8[%swap3A_64] {strides = array<i32>} : memref<1024xi32, #tpu.memory_space<vmem>>, vector<16xi32>,
    tpu.vector_store %arg8[%swap3A_64], %gather3A_63 {strides = array<i32>} : memref<1024xi32, #tpu.memory_space<vmem>>, vector<16xi32>,
    %get3A_66 = arith.constant 64 : index
    %get3A_67 = tpu.vector_load %arg5[%get3A_66] {strides = array<i32>} : memref<1024xi32, #tpu.memory_space<vmem>>, vector<16xi32>,
    %gather3A_68 = tpu.vector_load_idx %arg7[%get3A_67] : memref<128xi32, #tpu.memory_space<vmem>>[vector<16xi32>], vector<16xi32>,
    %swap3A_69 = arith.constant 64 : index
    %swap3A_70 = tpu.vector_load %arg8[%swap3A_69] {strides = array<i32>} : memref<1024xi32, #tpu.memory_space<vmem>>, vector<16xi32>,
    tpu.vector_store %arg8[%swap3A_69], %gather3A_68 {strides = array<i32>} : memref<1024xi32, #tpu.memory_space<vmem>>, vector<16xi32>,
    %get3A_71 = arith.constant 80 : index
    %get3A_72 = tpu.vector_load %arg5[%get3A_71] {strides = array<i32>} : memref<1024xi32, #tpu.memory_space<vmem>>, vector<16xi32>,
    %gather3A_73 = tpu.vector_load_idx %arg7[%get3A_72] : memref<128xi32, #tpu.memory_space<vmem>>[vector<16xi32>], vector<16xi32>,
    %swap3A_74 = arith.constant 80 : index
    %swap3A_75 = tpu.vector_load %arg8[%swap3A_74] {strides = array<i32>} : memref<1024xi32, #tpu.memory_space<vmem>>, vector<16xi32>,
    tpu.vector_store %arg8[%swap3A_74], %gather3A_73 {strides = array<i32>} : memref<1024xi32, #tpu.memory_space<vmem>>, vector<16xi32>,
    %get3A_76 = arith.constant 96 : index
    %get3A_77 = tpu.vector_load %arg5[%get3A_76] {strides = array<i32>} : memref<1024xi32, #tpu.memory_space<vmem>>, vector<16xi32>,
    %gather3A_78 = tpu.vector_load_idx %arg7[%get3A_77] : memref<128xi32, #tpu.memory_space<vmem>>[vector<16xi32>], vector<16xi32>,
    %swap3A_79 = arith.constant 96 : index
    %swap3A_80 = tpu.vector_load %arg8[%swap3A_79] {strides = array<i32>} : memref<1024xi32, #tpu.memory_space<vmem>>, vector<16xi32>,
    tpu.vector_store %arg8[%swap3A_79], %gather3A_78 {strides = array<i32>} : memref<1024xi32, #tpu.memory_space<vmem>>, vector<16xi32>,
    %get3A_81 = arith.constant 112 : index
    %get3A_82 = tpu.vector_load %arg5[%get3A_81] {strides = array<i32>} : memref<1024xi32, #tpu.memory_space<vmem>>, vector<16xi32>,
    %gather3A_83 = tpu.vector_load_idx %arg7[%get3A_82] : memref<128xi32, #tpu.memory_space<vmem>>[vector<16xi32>], vector<16xi32>,
    %swap3A_84 = arith.constant 112 : index
    %swap3A_85 = tpu.vector_load %arg8[%swap3A_84] {strides = array<i32>} : memref<1024xi32, #tpu.memory_space<vmem>>, vector<16xi32>,
    tpu.vector_store %arg8[%swap3A_84], %gather3A_83 {strides = array<i32>} : memref<1024xi32, #tpu.memory_space<vmem>>, vector<16xi32>,
    %get3A_86 = arith.constant 128 : index
    %get3A_87 = tpu.vector_load %arg5[%get3A_86] {strides = array<i32>} : memref<1024xi32, #tpu.memory_space<vmem>>, vector<16xi32>,
    %gather3A_88 = tpu.vector_load_idx %arg7[%get3A_87] : memref<128xi32, #tpu.memory_space<vmem>>[vector<16xi32>], vector<16xi32>,
    %swap3A_89 = arith.constant 128 : index
    %swap3A_90 = tpu.vector_load %arg8[%swap3A_89] {strides = array<i32>} : memref<1024xi32, #tpu.memory_space<vmem>>, vector<16xi32>,
    tpu.vector_store %arg8[%swap3A_89], %gather3A_88 {strides = array<i32>} : memref<1024xi32, #tpu.memory_space<vmem>>, vector<16xi32>,
    %get3A_91 = arith.constant 144 : index
    %get3A_92 = tpu.vector_load %arg5[%get3A_91] {strides = array<i32>} : memref<1024xi32, #tpu.memory_space<vmem>>, vector<16xi32>,
    %gather3A_93 = tpu.vector_load_idx %arg7[%get3A_92] : memref<128xi32, #tpu.memory_space<vmem>>[vector<16xi32>], vector<16xi32>,
    %swap3A_94 = arith.constant 144 : index
    %swap3A_95 = tpu.vector_load %arg8[%swap3A_94] {strides = array<i32>} : memref<1024xi32, #tpu.memory_space<vmem>>, vector<16xi32>,
    tpu.vector_store %arg8[%swap3A_94], %gather3A_93 {strides = array<i32>} : memref<1024xi32, #tpu.memory_space<vmem>>, vector<16xi32>,
    %get3A_96 = arith.constant 160 : index
    %get3A_97 = tpu.vector_load %arg5[%get3A_96] {strides = array<i32>} : memref<1024xi32, #tpu.memory_space<vmem>>, vector<16xi32>,
    %gather3A_98 = tpu.vector_load_idx %arg7[%get3A_97] : memref<128xi32, #tpu.memory_space<vmem>>[vector<16xi32>], vector<16xi32>,
    %swap3A_99 = arith.constant 160 : index
    %swap3A_100 = tpu.vector_load %arg8[%swap3A_99] {strides = array<i32>} : memref<1024xi32, #tpu.memory_space<vmem>>, vector<16xi32>,
    tpu.vector_store %arg8[%swap3A_99], %gather3A_98 {strides = array<i32>} : memref<1024xi32, #tpu.memory_space<vmem>>, vector<16xi32>,
    %get3A_101 = arith.constant 176 : index
    %get3A_102 = tpu.vector_load %arg5[%get3A_101] {strides = array<i32>} : memref<1024xi32, #tpu.memory_space<vmem>>, vector<16xi32>,
    %gather3A_103 = tpu.vector_load_idx %arg7[%get3A_102] : memref<128xi32, #tpu.memory_space<vmem>>[vector<16xi32>], vector<16xi32>,
    %swap3A_104 = arith.constant 176 : index
    %swap3A_105 = tpu.vector_load %arg8[%swap3A_104] {strides = array<i32>} : memref<1024xi32, #tpu.memory_space<vmem>>, vector<16xi32>,
    tpu.vector_store %arg8[%swap3A_104], %gather3A_103 {strides = array<i32>} : memref<1024xi32, #tpu.memory_space<vmem>>, vector<16xi32>,
    %get3A_106 = arith.constant 192 : index
    %get3A_107 = tpu.vector_load %arg5[%get3A_106] {strides = array<i32>} : memref<1024xi32, #tpu.memory_space<vmem>>, vector<16xi32>,
    %gather3A_108 = tpu.vector_load_idx %arg7[%get3A_107] : memref<128xi32, #tpu.memory_space<vmem>>[vector<16xi32>], vector<16xi32>,
    %swap3A_109 = arith.constant 192 : index
    %swap3A_110 = tpu.vector_load %arg8[%swap3A_109] {strides = array<i32>} : memref<1024xi32, #tpu.memory_space<vmem>>, vector<16xi32>,
    tpu.vector_store %arg8[%swap3A_109], %gather3A_108 {strides = array<i32>} : memref<1024xi32, #tpu.memory_space<vmem>>, vector<16xi32>,
    %get3A_111 = arith.constant 208 : index
    %get3A_112 = tpu.vector_load %arg5[%get3A_111] {strides = array<i32>} : memref<1024xi32, #tpu.memory_space<vmem>>, vector<16xi32>,
    %gather3A_113 = tpu.vector_load_idx %arg7[%get3A_112] : memref<128xi32, #tpu.memory_space<vmem>>[vector<16xi32>], vector<16xi32>,
    %swap3A_114 = arith.constant 208 : index
    %swap3A_115 = tpu.vector_load %arg8[%swap3A_114] {strides = array<i32>} : memref<1024xi32, #tpu.memory_space<vmem>>, vector<16xi32>,
    tpu.vector_store %arg8[%swap3A_114], %gather3A_113 {strides = array<i32>} : memref<1024xi32, #tpu.memory_space<vmem>>, vector<16xi32>,
    %get3A_116 = arith.constant 224 : index
    %get3A_117 = tpu.vector_load %arg5[%get3A_116] {strides = array<i32>} : memref<1024xi32, #tpu.memory_space<vmem>>, vector<16xi32>,
    %gather3A_118 = tpu.vector_load_idx %arg7[%get3A_117] : memref<128xi32, #tpu.memory_space<vmem>>[vector<16xi32>], vector<16xi32>,
    %swap3A_119 = arith.constant 224 : index
    %swap3A_120 = tpu.vector_load %arg8[%swap3A_119] {strides = array<i32>} : memref<1024xi32, #tpu.memory_space<vmem>>, vector<16xi32>,
    tpu.vector_store %arg8[%swap3A_119], %gather3A_118 {strides = array<i32>} : memref<1024xi32, #tpu.memory_space<vmem>>, vector<16xi32>,
    %get3A_121 = arith.constant 240 : index
    %get3A_122 = tpu.vector_load %arg5[%get3A_121] {strides = array<i32>} : memref<1024xi32, #tpu.memory_space<vmem>>, vector<16xi32>,
    %gather3A_123 = tpu.vector_load_idx %arg7[%get3A_122] : memref<128xi32, #tpu.memory_space<vmem>>[vector<16xi32>], vector<16xi32>,
    %swap3A_124 = arith.constant 240 : index
    %swap3A_125 = tpu.vector_load %arg8[%swap3A_124] {strides = array<i32>} : memref<1024xi32, #tpu.memory_space<vmem>>, vector<16xi32>,
    tpu.vector_store %arg8[%swap3A_124], %gather3A_123 {strides = array<i32>} : memref<1024xi32, #tpu.memory_space<vmem>>, vector<16xi32>,
    %get3A_126 = arith.constant 256 : index
    %get3A_127 = tpu.vector_load %arg5[%get3A_126] {strides = array<i32>} : memref<1024xi32, #tpu.memory_space<vmem>>, vector<16xi32>,
    %gather3A_128 = tpu.vector_load_idx %arg7[%get3A_127] : memref<128xi32, #tpu.memory_space<vmem>>[vector<16xi32>], vector<16xi32>,
    %swap3A_129 = arith.constant 256 : index
    %swap3A_130 = tpu.vector_load %arg8[%swap3A_129] {strides = array<i32>} : memref<1024xi32, #tpu.memory_space<vmem>>, vector<16xi32>,
    tpu.vector_store %arg8[%swap3A_129], %gather3A_128 {strides = array<i32>} : memref<1024xi32, #tpu.memory_space<vmem>>, vector<16xi32>,
    %get3A_131 = arith.constant 272 : index
    %get3A_132 = tpu.vector_load %arg5[%get3A_131] {strides = array<i32>} : memref<1024xi32, #tpu.memory_space<vmem>>, vector<16xi32>,
    %gather3A_133 = tpu.vector_load_idx %arg7[%get3A_132] : memref<128xi32, #tpu.memory_space<vmem>>[vector<16xi32>], vector<16xi32>,
    %swap3A_134 = arith.constant 272 : index
    %swap3A_135 = tpu.vector_load %arg8[%swap3A_134] {strides = array<i32>} : memref<1024xi32, #tpu.memory_space<vmem>>, vector<16xi32>,
    tpu.vector_store %arg8[%swap3A_134], %gather3A_133 {strides = array<i32>} : memref<1024xi32, #tpu.memory_space<vmem>>, vector<16xi32>,
    %get3A_136 = arith.constant 288 : index
    %get3A_137 = tpu.vector_load %arg5[%get3A_136] {strides = array<i32>} : memref<1024xi32, #tpu.memory_space<vmem>>, vector<16xi32>,
    %gather3A_138 = tpu.vector_load_idx %arg7[%get3A_137] : memref<128xi32, #tpu.memory_space<vmem>>[vector<16xi32>], vector<16xi32>,
    %swap3A_139 = arith.constant 288 : index
    %swap3A_140 = tpu.vector_load %arg8[%swap3A_139] {strides = array<i32>} : memref<1024xi32, #tpu.memory_space<vmem>>, vector<16xi32>,
    tpu.vector_store %arg8[%swap3A_139], %gather3A_138 {strides = array<i32>} : memref<1024xi32, #tpu.memory_space<vmem>>, vector<16xi32>,
    %get3A_141 = arith.constant 304 : index
    %get3A_142 = tpu.vector_load %arg5[%get3A_141] {strides = array<i32>} : memref<1024xi32, #tpu.memory_space<vmem>>, vector<16xi32>,
    %gather3A_143 = tpu.vector_load_idx %arg7[%get3A_142] : memref<128xi32, #tpu.memory_space<vmem>>[vector<16xi32>], vector<16xi32>,
    %swap3A_144 = arith.constant 304 : index
    %swap3A_145 = tpu.vector_load %arg8[%swap3A_144] {strides = array<i32>} : memref<1024xi32, #tpu.memory_space<vmem>>, vector<16xi32>,
    tpu.vector_store %arg8[%swap3A_144], %gather3A_143 {strides = array<i32>} : memref<1024xi32, #tpu.memory_space<vmem>>, vector<16xi32>,
    %get3A_146 = arith.constant 320 : index
    %get3A_147 = tpu.vector_load %arg5[%get3A_146] {strides = array<i32>} : memref<1024xi32, #tpu.memory_space<vmem>>, vector<16xi32>,
    %gather3A_148 = tpu.vector_load_idx %arg7[%get3A_147] : memref<128xi32, #tpu.memory_space<vmem>>[vector<16xi32>], vector<16xi32>,
    %swap3A_149 = arith.constant 320 : index
    %swap3A_150 = tpu.vector_load %arg8[%swap3A_149] {strides = array<i32>} : memref<1024xi32, #tpu.memory_space<vmem>>, vector<16xi32>,
    tpu.vector_store %arg8[%swap3A_149], %gather3A_148 {strides = array<i32>} : memref<1024xi32, #tpu.memory_space<vmem>>, vector<16xi32>,
    %get3A_151 = arith.constant 336 : index
    %get3A_152 = tpu.vector_load %arg5[%get3A_151] {strides = array<i32>} : memref<1024xi32, #tpu.memory_space<vmem>>, vector<16xi32>,
    %gather3A_153 = tpu.vector_load_idx %arg7[%get3A_152] : memref<128xi32, #tpu.memory_space<vmem>>[vector<16xi32>], vector<16xi32>,
    %swap3A_154 = arith.constant 336 : index
    %swap3A_155 = tpu.vector_load %arg8[%swap3A_154] {strides = array<i32>} : memref<1024xi32, #tpu.memory_space<vmem>>, vector<16xi32>,
    tpu.vector_store %arg8[%swap3A_154], %gather3A_153 {strides = array<i32>} : memref<1024xi32, #tpu.memory_space<vmem>>, vector<16xi32>,
    %get3A_156 = arith.constant 352 : index
    %get3A_157 = tpu.vector_load %arg5[%get3A_156] {strides = array<i32>} : memref<1024xi32, #tpu.memory_space<vmem>>, vector<16xi32>,
    %gather3A_158 = tpu.vector_load_idx %arg7[%get3A_157] : memref<128xi32, #tpu.memory_space<vmem>>[vector<16xi32>], vector<16xi32>,
    %swap3A_159 = arith.constant 352 : index
    %swap3A_160 = tpu.vector_load %arg8[%swap3A_159] {strides = array<i32>} : memref<1024xi32, #tpu.memory_space<vmem>>, vector<16xi32>,
    tpu.vector_store %arg8[%swap3A_159], %gather3A_158 {strides = array<i32>} : memref<1024xi32, #tpu.memory_space<vmem>>, vector<16xi32>,
    %get3A_161 = arith.constant 368 : index
    %get3A_162 = tpu.vector_load %arg5[%get3A_161] {strides = array<i32>} : memref<1024xi32, #tpu.memory_space<vmem>>, vector<16xi32>,
    %gather3A_163 = tpu.vector_load_idx %arg7[%get3A_162] : memref<128xi32, #tpu.memory_space<vmem>>[vector<16xi32>], vector<16xi32>,
    %swap3A_164 = arith.constant 368 : index
    %swap3A_165 = tpu.vector_load %arg8[%swap3A_164] {strides = array<i32>} : memref<1024xi32, #tpu.memory_space<vmem>>, vector<16xi32>,
    tpu.vector_store %arg8[%swap3A_164], %gather3A_163 {strides = array<i32>} : memref<1024xi32, #tpu.memory_space<vmem>>, vector<16xi32>,
    %get3A_166 = arith.constant 384 : index
    %get3A_167 = tpu.vector_load %arg5[%get3A_166] {strides = array<i32>} : memref<1024xi32, #tpu.memory_space<vmem>>, vector<16xi32>,
    %gather3A_168 = tpu.vector_load_idx %arg7[%get3A_167] : memref<128xi32, #tpu.memory_space<vmem>>[vector<16xi32>], vector<16xi32>,
    %swap3A_169 = arith.constant 384 : index
    %swap3A_170 = tpu.vector_load %arg8[%swap3A_169] {strides = array<i32>} : memref<1024xi32, #tpu.memory_space<vmem>>, vector<16xi32>,
    tpu.vector_store %arg8[%swap3A_169], %gather3A_168 {strides = array<i32>} : memref<1024xi32, #tpu.memory_space<vmem>>, vector<16xi32>,
    %get3A_171 = arith.constant 400 : index
    %get3A_172 = tpu.vector_load %arg5[%get3A_171] {strides = array<i32>} : memref<1024xi32, #tpu.memory_space<vmem>>, vector<16xi32>,
    %gather3A_173 = tpu.vector_load_idx %arg7[%get3A_172] : memref<128xi32, #tpu.memory_space<vmem>>[vector<16xi32>], vector<16xi32>,
    %swap3A_174 = arith.constant 400 : index
    %swap3A_175 = tpu.vector_load %arg8[%swap3A_174] {strides = array<i32>} : memref<1024xi32, #tpu.memory_space<vmem>>, vector<16xi32>,
    tpu.vector_store %arg8[%swap3A_174], %gather3A_173 {strides = array<i32>} : memref<1024xi32, #tpu.memory_space<vmem>>, vector<16xi32>,
    %get3A_176 = arith.constant 416 : index
    %get3A_177 = tpu.vector_load %arg5[%get3A_176] {strides = array<i32>} : memref<1024xi32, #tpu.memory_space<vmem>>, vector<16xi32>,
    %gather3A_178 = tpu.vector_load_idx %arg7[%get3A_177] : memref<128xi32, #tpu.memory_space<vmem>>[vector<16xi32>], vector<16xi32>,
    %swap3A_179 = arith.constant 416 : index
    %swap3A_180 = tpu.vector_load %arg8[%swap3A_179] {strides = array<i32>} : memref<1024xi32, #tpu.memory_space<vmem>>, vector<16xi32>,
    tpu.vector_store %arg8[%swap3A_179], %gather3A_178 {strides = array<i32>} : memref<1024xi32, #tpu.memory_space<vmem>>, vector<16xi32>,
    %get3A_181 = arith.constant 432 : index
    %get3A_182 = tpu.vector_load %arg5[%get3A_181] {strides = array<i32>} : memref<1024xi32, #tpu.memory_space<vmem>>, vector<16xi32>,
    %gather3A_183 = tpu.vector_load_idx %arg7[%get3A_182] : memref<128xi32, #tpu.memory_space<vmem>>[vector<16xi32>], vector<16xi32>,
    %swap3A_184 = arith.constant 432 : index
    %swap3A_185 = tpu.vector_load %arg8[%swap3A_184] {strides = array<i32>} : memref<1024xi32, #tpu.memory_space<vmem>>, vector<16xi32>,
    tpu.vector_store %arg8[%swap3A_184], %gather3A_183 {strides = array<i32>} : memref<1024xi32, #tpu.memory_space<vmem>>, vector<16xi32>,
    %get3A_186 = arith.constant 448 : index
    %get3A_187 = tpu.vector_load %arg5[%get3A_186] {strides = array<i32>} : memref<1024xi32, #tpu.memory_space<vmem>>, vector<16xi32>,
    %gather3A_188 = tpu.vector_load_idx %arg7[%get3A_187] : memref<128xi32, #tpu.memory_space<vmem>>[vector<16xi32>], vector<16xi32>,
    %swap3A_189 = arith.constant 448 : index
    %swap3A_190 = tpu.vector_load %arg8[%swap3A_189] {strides = array<i32>} : memref<1024xi32, #tpu.memory_space<vmem>>, vector<16xi32>,
    tpu.vector_store %arg8[%swap3A_189], %gather3A_188 {strides = array<i32>} : memref<1024xi32, #tpu.memory_space<vmem>>, vector<16xi32>,
    %get3A_191 = arith.constant 464 : index
    %get3A_192 = tpu.vector_load %arg5[%get3A_191] {strides = array<i32>} : memref<1024xi32, #tpu.memory_space<vmem>>, vector<16xi32>,
    %gather3A_193 = tpu.vector_load_idx %arg7[%get3A_192] : memref<128xi32, #tpu.memory_space<vmem>>[vector<16xi32>], vector<16xi32>,
    %swap3A_194 = arith.constant 464 : index
    %swap3A_195 = tpu.vector_load %arg8[%swap3A_194] {strides = array<i32>} : memref<1024xi32, #tpu.memory_space<vmem>>, vector<16xi32>,
    tpu.vector_store %arg8[%swap3A_194], %gather3A_193 {strides = array<i32>} : memref<1024xi32, #tpu.memory_space<vmem>>, vector<16xi32>,
    %get3A_196 = arith.constant 480 : index
    %get3A_197 = tpu.vector_load %arg5[%get3A_196] {strides = array<i32>} : memref<1024xi32, #tpu.memory_space<vmem>>, vector<16xi32>,
    %gather3A_198 = tpu.vector_load_idx %arg7[%get3A_197] : memref<128xi32, #tpu.memory_space<vmem>>[vector<16xi32>], vector<16xi32>,
    %swap3A_199 = arith.constant 480 : index
    %swap3A_200 = tpu.vector_load %arg8[%swap3A_199] {strides = array<i32>} : memref<1024xi32, #tpu.memory_space<vmem>>, vector<16xi32>,
    tpu.vector_store %arg8[%swap3A_199], %gather3A_198 {strides = array<i32>} : memref<1024xi32, #tpu.memory_space<vmem>>, vector<16xi32>,
    %get3A_201 = arith.constant 496 : index
    %get3A_202 = tpu.vector_load %arg5[%get3A_201] {strides = array<i32>} : memref<1024xi32, #tpu.memory_space<vmem>>, vector<16xi32>,
    %gather3A_203 = tpu.vector_load_idx %arg7[%get3A_202] : memref<128xi32, #tpu.memory_space<vmem>>[vector<16xi32>], vector<16xi32>,
    %swap3A_204 = arith.constant 496 : index
    %swap3A_205 = tpu.vector_load %arg8[%swap3A_204] {strides = array<i32>} : memref<1024xi32, #tpu.memory_space<vmem>>, vector<16xi32>,
    tpu.vector_store %arg8[%swap3A_204], %gather3A_203 {strides = array<i32>} : memref<1024xi32, #tpu.memory_space<vmem>>, vector<16xi32>,
    %get3A_206 = arith.constant 512 : index
    %get3A_207 = tpu.vector_load %arg5[%get3A_206] {strides = array<i32>} : memref<1024xi32, #tpu.memory_space<vmem>>, vector<16xi32>,
    %gather3A_208 = tpu.vector_load_idx %arg7[%get3A_207] : memref<128xi32, #tpu.memory_space<vmem>>[vector<16xi32>], vector<16xi32>,
    %swap3A_209 = arith.constant 512 : index
    %swap3A_210 = tpu.vector_load %arg8[%swap3A_209] {strides = array<i32>} : memref<1024xi32, #tpu.memory_space<vmem>>, vector<16xi32>,
    tpu.vector_store %arg8[%swap3A_209], %gather3A_208 {strides = array<i32>} : memref<1024xi32, #tpu.memory_space<vmem>>, vector<16xi32>,
    %get3A_211 = arith.constant 528 : index
    %get3A_212 = tpu.vector_load %arg5[%get3A_211] {strides = array<i32>} : memref<1024xi32, #tpu.memory_space<vmem>>, vector<16xi32>,
    %gather3A_213 = tpu.vector_load_idx %arg7[%get3A_212] : memref<128xi32, #tpu.memory_space<vmem>>[vector<16xi32>], vector<16xi32>,
    %swap3A_214 = arith.constant 528 : index
    %swap3A_215 = tpu.vector_load %arg8[%swap3A_214] {strides = array<i32>} : memref<1024xi32, #tpu.memory_space<vmem>>, vector<16xi32>,
    tpu.vector_store %arg8[%swap3A_214], %gather3A_213 {strides = array<i32>} : memref<1024xi32, #tpu.memory_space<vmem>>, vector<16xi32>,
    %get3A_216 = arith.constant 544 : index
    %get3A_217 = tpu.vector_load %arg5[%get3A_216] {strides = array<i32>} : memref<1024xi32, #tpu.memory_space<vmem>>, vector<16xi32>,
    %gather3A_218 = tpu.vector_load_idx %arg7[%get3A_217] : memref<128xi32, #tpu.memory_space<vmem>>[vector<16xi32>], vector<16xi32>,
    %swap3A_219 = arith.constant 544 : index
    %swap3A_220 = tpu.vector_load %arg8[%swap3A_219] {strides = array<i32>} : memref<1024xi32, #tpu.memory_space<vmem>>, vector<16xi32>,
    tpu.vector_store %arg8[%swap3A_219], %gather3A_218 {strides = array<i32>} : memref<1024xi32, #tpu.memory_space<vmem>>, vector<16xi32>,
    %get3A_221 = arith.constant 560 : index
    %get3A_222 = tpu.vector_load %arg5[%get3A_221] {strides = array<i32>} : memref<1024xi32, #tpu.memory_space<vmem>>, vector<16xi32>,
    %gather3A_223 = tpu.vector_load_idx %arg7[%get3A_222] : memref<128xi32, #tpu.memory_space<vmem>>[vector<16xi32>], vector<16xi32>,
    %swap3A_224 = arith.constant 560 : index
    %swap3A_225 = tpu.vector_load %arg8[%swap3A_224] {strides = array<i32>} : memref<1024xi32, #tpu.memory_space<vmem>>, vector<16xi32>,
    tpu.vector_store %arg8[%swap3A_224], %gather3A_223 {strides = array<i32>} : memref<1024xi32, #tpu.memory_space<vmem>>, vector<16xi32>,
    %get3A_226 = arith.constant 576 : index
    %get3A_227 = tpu.vector_load %arg5[%get3A_226] {strides = array<i32>} : memref<1024xi32, #tpu.memory_space<vmem>>, vector<16xi32>,
    %gather3A_228 = tpu.vector_load_idx %arg7[%get3A_227] : memref<128xi32, #tpu.memory_space<vmem>>[vector<16xi32>], vector<16xi32>,
    %swap3A_229 = arith.constant 576 : index
    %swap3A_230 = tpu.vector_load %arg8[%swap3A_229] {strides = array<i32>} : memref<1024xi32, #tpu.memory_space<vmem>>, vector<16xi32>,
    tpu.vector_store %arg8[%swap3A_229], %gather3A_228 {strides = array<i32>} : memref<1024xi32, #tpu.memory_space<vmem>>, vector<16xi32>,
    %get3A_231 = arith.constant 592 : index
    %get3A_232 = tpu.vector_load %arg5[%get3A_231] {strides = array<i32>} : memref<1024xi32, #tpu.memory_space<vmem>>, vector<16xi32>,
    %gather3A_233 = tpu.vector_load_idx %arg7[%get3A_232] : memref<128xi32, #tpu.memory_space<vmem>>[vector<16xi32>], vector<16xi32>,
    %swap3A_234 = arith.constant 592 : index
    %swap3A_235 = tpu.vector_load %arg8[%swap3A_234] {strides = array<i32>} : memref<1024xi32, #tpu.memory_space<vmem>>, vector<16xi32>,
    tpu.vector_store %arg8[%swap3A_234], %gather3A_233 {strides = array<i32>} : memref<1024xi32, #tpu.memory_space<vmem>>, vector<16xi32>,
    %get3A_236 = arith.constant 608 : index
    %get3A_237 = tpu.vector_load %arg5[%get3A_236] {strides = array<i32>} : memref<1024xi32, #tpu.memory_space<vmem>>, vector<16xi32>,
    %gather3A_238 = tpu.vector_load_idx %arg7[%get3A_237] : memref<128xi32, #tpu.memory_space<vmem>>[vector<16xi32>], vector<16xi32>,
    %swap3A_239 = arith.constant 608 : index
    %swap3A_240 = tpu.vector_load %arg8[%swap3A_239] {strides = array<i32>} : memref<1024xi32, #tpu.memory_space<vmem>>, vector<16xi32>,
    tpu.vector_store %arg8[%swap3A_239], %gather3A_238 {strides = array<i32>} : memref<1024xi32, #tpu.memory_space<vmem>>, vector<16xi32>,
    %get3A_241 = arith.constant 624 : index
    %get3A_242 = tpu.vector_load %arg5[%get3A_241] {strides = array<i32>} : memref<1024xi32, #tpu.memory_space<vmem>>, vector<16xi32>,
    %gather3A_243 = tpu.vector_load_idx %arg7[%get3A_242] : memref<128xi32, #tpu.memory_space<vmem>>[vector<16xi32>], vector<16xi32>,
    %swap3A_244 = arith.constant 624 : index
    %swap3A_245 = tpu.vector_load %arg8[%swap3A_244] {strides = array<i32>} : memref<1024xi32, #tpu.memory_space<vmem>>, vector<16xi32>,
    tpu.vector_store %arg8[%swap3A_244], %gather3A_243 {strides = array<i32>} : memref<1024xi32, #tpu.memory_space<vmem>>, vector<16xi32>,
    %get3A_246 = arith.constant 640 : index
    %get3A_247 = tpu.vector_load %arg5[%get3A_246] {strides = array<i32>} : memref<1024xi32, #tpu.memory_space<vmem>>, vector<16xi32>,
    %gather3A_248 = tpu.vector_load_idx %arg7[%get3A_247] : memref<128xi32, #tpu.memory_space<vmem>>[vector<16xi32>], vector<16xi32>,
    %swap3A_249 = arith.constant 640 : index
    %swap3A_250 = tpu.vector_load %arg8[%swap3A_249] {strides = array<i32>} : memref<1024xi32, #tpu.memory_space<vmem>>, vector<16xi32>,
    tpu.vector_store %arg8[%swap3A_249], %gather3A_248 {strides = array<i32>} : memref<1024xi32, #tpu.memory_space<vmem>>, vector<16xi32>,
    %get3A_251 = arith.constant 656 : index
    %get3A_252 = tpu.vector_load %arg5[%get3A_251] {strides = array<i32>} : memref<1024xi32, #tpu.memory_space<vmem>>, vector<16xi32>,
    %gather3A_253 = tpu.vector_load_idx %arg7[%get3A_252] : memref<128xi32, #tpu.memory_space<vmem>>[vector<16xi32>], vector<16xi32>,
    %swap3A_254 = arith.constant 656 : index
    %swap3A_255 = tpu.vector_load %arg8[%swap3A_254] {strides = array<i32>} : memref<1024xi32, #tpu.memory_space<vmem>>, vector<16xi32>,
    tpu.vector_store %arg8[%swap3A_254], %gather3A_253 {strides = array<i32>} : memref<1024xi32, #tpu.memory_space<vmem>>, vector<16xi32>,
    %get3A_256 = arith.constant 672 : index
    %get3A_257 = tpu.vector_load %arg5[%get3A_256] {strides = array<i32>} : memref<1024xi32, #tpu.memory_space<vmem>>, vector<16xi32>,
    %gather3A_258 = tpu.vector_load_idx %arg7[%get3A_257] : memref<128xi32, #tpu.memory_space<vmem>>[vector<16xi32>], vector<16xi32>,
    %swap3A_259 = arith.constant 672 : index
    %swap3A_260 = tpu.vector_load %arg8[%swap3A_259] {strides = array<i32>} : memref<1024xi32, #tpu.memory_space<vmem>>, vector<16xi32>,
    tpu.vector_store %arg8[%swap3A_259], %gather3A_258 {strides = array<i32>} : memref<1024xi32, #tpu.memory_space<vmem>>, vector<16xi32>,
    %get3A_261 = arith.constant 688 : index
    %get3A_262 = tpu.vector_load %arg5[%get3A_261] {strides = array<i32>} : memref<1024xi32, #tpu.memory_space<vmem>>, vector<16xi32>,
    %gather3A_263 = tpu.vector_load_idx %arg7[%get3A_262] : memref<128xi32, #tpu.memory_space<vmem>>[vector<16xi32>], vector<16xi32>,
    %swap3A_264 = arith.constant 688 : index
    %swap3A_265 = tpu.vector_load %arg8[%swap3A_264] {strides = array<i32>} : memref<1024xi32, #tpu.memory_space<vmem>>, vector<16xi32>,
    tpu.vector_store %arg8[%swap3A_264], %gather3A_263 {strides = array<i32>} : memref<1024xi32, #tpu.memory_space<vmem>>, vector<16xi32>,
    %get3A_266 = arith.constant 704 : index
    %get3A_267 = tpu.vector_load %arg5[%get3A_266] {strides = array<i32>} : memref<1024xi32, #tpu.memory_space<vmem>>, vector<16xi32>,
    %gather3A_268 = tpu.vector_load_idx %arg7[%get3A_267] : memref<128xi32, #tpu.memory_space<vmem>>[vector<16xi32>], vector<16xi32>,
    %swap3A_269 = arith.constant 704 : index
    %swap3A_270 = tpu.vector_load %arg8[%swap3A_269] {strides = array<i32>} : memref<1024xi32, #tpu.memory_space<vmem>>, vector<16xi32>,
    tpu.vector_store %arg8[%swap3A_269], %gather3A_268 {strides = array<i32>} : memref<1024xi32, #tpu.memory_space<vmem>>, vector<16xi32>,
    %get3A_271 = arith.constant 720 : index
    %get3A_272 = tpu.vector_load %arg5[%get3A_271] {strides = array<i32>} : memref<1024xi32, #tpu.memory_space<vmem>>, vector<16xi32>,
    %gather3A_273 = tpu.vector_load_idx %arg7[%get3A_272] : memref<128xi32, #tpu.memory_space<vmem>>[vector<16xi32>], vector<16xi32>,
    %swap3A_274 = arith.constant 720 : index
    %swap3A_275 = tpu.vector_load %arg8[%swap3A_274] {strides = array<i32>} : memref<1024xi32, #tpu.memory_space<vmem>>, vector<16xi32>,
    tpu.vector_store %arg8[%swap3A_274], %gather3A_273 {strides = array<i32>} : memref<1024xi32, #tpu.memory_space<vmem>>, vector<16xi32>,
    %get3A_276 = arith.constant 736 : index
    %get3A_277 = tpu.vector_load %arg5[%get3A_276] {strides = array<i32>} : memref<1024xi32, #tpu.memory_space<vmem>>, vector<16xi32>,
    %gather3A_278 = tpu.vector_load_idx %arg7[%get3A_277] : memref<128xi32, #tpu.memory_space<vmem>>[vector<16xi32>], vector<16xi32>,
    %swap3A_279 = arith.constant 736 : index
    %swap3A_280 = tpu.vector_load %arg8[%swap3A_279] {strides = array<i32>} : memref<1024xi32, #tpu.memory_space<vmem>>, vector<16xi32>,
    tpu.vector_store %arg8[%swap3A_279], %gather3A_278 {strides = array<i32>} : memref<1024xi32, #tpu.memory_space<vmem>>, vector<16xi32>,
    %get3A_281 = arith.constant 752 : index
    %get3A_282 = tpu.vector_load %arg5[%get3A_281] {strides = array<i32>} : memref<1024xi32, #tpu.memory_space<vmem>>, vector<16xi32>,
    %gather3A_283 = tpu.vector_load_idx %arg7[%get3A_282] : memref<128xi32, #tpu.memory_space<vmem>>[vector<16xi32>], vector<16xi32>,
    %swap3A_284 = arith.constant 752 : index
    %swap3A_285 = tpu.vector_load %arg8[%swap3A_284] {strides = array<i32>} : memref<1024xi32, #tpu.memory_space<vmem>>, vector<16xi32>,
    tpu.vector_store %arg8[%swap3A_284], %gather3A_283 {strides = array<i32>} : memref<1024xi32, #tpu.memory_space<vmem>>, vector<16xi32>,
    %get3A_286 = arith.constant 768 : index
    %get3A_287 = tpu.vector_load %arg5[%get3A_286] {strides = array<i32>} : memref<1024xi32, #tpu.memory_space<vmem>>, vector<16xi32>,
    %gather3A_288 = tpu.vector_load_idx %arg7[%get3A_287] : memref<128xi32, #tpu.memory_space<vmem>>[vector<16xi32>], vector<16xi32>,
    %swap3A_289 = arith.constant 768 : index
    %swap3A_290 = tpu.vector_load %arg8[%swap3A_289] {strides = array<i32>} : memref<1024xi32, #tpu.memory_space<vmem>>, vector<16xi32>,
    tpu.vector_store %arg8[%swap3A_289], %gather3A_288 {strides = array<i32>} : memref<1024xi32, #tpu.memory_space<vmem>>, vector<16xi32>,
    %get3A_291 = arith.constant 784 : index
    %get3A_292 = tpu.vector_load %arg5[%get3A_291] {strides = array<i32>} : memref<1024xi32, #tpu.memory_space<vmem>>, vector<16xi32>,
    %gather3A_293 = tpu.vector_load_idx %arg7[%get3A_292] : memref<128xi32, #tpu.memory_space<vmem>>[vector<16xi32>], vector<16xi32>,
    %swap3A_294 = arith.constant 784 : index
    %swap3A_295 = tpu.vector_load %arg8[%swap3A_294] {strides = array<i32>} : memref<1024xi32, #tpu.memory_space<vmem>>, vector<16xi32>,
    tpu.vector_store %arg8[%swap3A_294], %gather3A_293 {strides = array<i32>} : memref<1024xi32, #tpu.memory_space<vmem>>, vector<16xi32>,
    %get3A_296 = arith.constant 800 : index
    %get3A_297 = tpu.vector_load %arg5[%get3A_296] {strides = array<i32>} : memref<1024xi32, #tpu.memory_space<vmem>>, vector<16xi32>,
    %gather3A_298 = tpu.vector_load_idx %arg7[%get3A_297] : memref<128xi32, #tpu.memory_space<vmem>>[vector<16xi32>], vector<16xi32>,
    %swap3A_299 = arith.constant 800 : index
    %swap3A_300 = tpu.vector_load %arg8[%swap3A_299] {strides = array<i32>} : memref<1024xi32, #tpu.memory_space<vmem>>, vector<16xi32>,
    tpu.vector_store %arg8[%swap3A_299], %gather3A_298 {strides = array<i32>} : memref<1024xi32, #tpu.memory_space<vmem>>, vector<16xi32>,
    %get3A_301 = arith.constant 816 : index
    %get3A_302 = tpu.vector_load %arg5[%get3A_301] {strides = array<i32>} : memref<1024xi32, #tpu.memory_space<vmem>>, vector<16xi32>,
    %gather3A_303 = tpu.vector_load_idx %arg7[%get3A_302] : memref<128xi32, #tpu.memory_space<vmem>>[vector<16xi32>], vector<16xi32>,
    %swap3A_304 = arith.constant 816 : index
    %swap3A_305 = tpu.vector_load %arg8[%swap3A_304] {strides = array<i32>} : memref<1024xi32, #tpu.memory_space<vmem>>, vector<16xi32>,
    tpu.vector_store %arg8[%swap3A_304], %gather3A_303 {strides = array<i32>} : memref<1024xi32, #tpu.memory_space<vmem>>, vector<16xi32>,
    %get3A_306 = arith.constant 832 : index
    %get3A_307 = tpu.vector_load %arg5[%get3A_306] {strides = array<i32>} : memref<1024xi32, #tpu.memory_space<vmem>>, vector<16xi32>,
    %gather3A_308 = tpu.vector_load_idx %arg7[%get3A_307] : memref<128xi32, #tpu.memory_space<vmem>>[vector<16xi32>], vector<16xi32>,
    %swap3A_309 = arith.constant 832 : index
    %swap3A_310 = tpu.vector_load %arg8[%swap3A_309] {strides = array<i32>} : memref<1024xi32, #tpu.memory_space<vmem>>, vector<16xi32>,
    tpu.vector_store %arg8[%swap3A_309], %gather3A_308 {strides = array<i32>} : memref<1024xi32, #tpu.memory_space<vmem>>, vector<16xi32>,
    %get3A_311 = arith.constant 848 : index
    %get3A_312 = tpu.vector_load %arg5[%get3A_311] {strides = array<i32>} : memref<1024xi32, #tpu.memory_space<vmem>>, vector<16xi32>,
    %gather3A_313 = tpu.vector_load_idx %arg7[%get3A_312] : memref<128xi32, #tpu.memory_space<vmem>>[vector<16xi32>], vector<16xi32>,
    %swap3A_314 = arith.constant 848 : index
    %swap3A_315 = tpu.vector_load %arg8[%swap3A_314] {strides = array<i32>} : memref<1024xi32, #tpu.memory_space<vmem>>, vector<16xi32>,
    tpu.vector_store %arg8[%swap3A_314], %gather3A_313 {strides = array<i32>} : memref<1024xi32, #tpu.memory_space<vmem>>, vector<16xi32>,
    %get3A_316 = arith.constant 864 : index
    %get3A_317 = tpu.vector_load %arg5[%get3A_316] {strides = array<i32>} : memref<1024xi32, #tpu.memory_space<vmem>>, vector<16xi32>,
    %gather3A_318 = tpu.vector_load_idx %arg7[%get3A_317] : memref<128xi32, #tpu.memory_space<vmem>>[vector<16xi32>], vector<16xi32>,
    %swap3A_319 = arith.constant 864 : index
    %swap3A_320 = tpu.vector_load %arg8[%swap3A_319] {strides = array<i32>} : memref<1024xi32, #tpu.memory_space<vmem>>, vector<16xi32>,
    tpu.vector_store %arg8[%swap3A_319], %gather3A_318 {strides = array<i32>} : memref<1024xi32, #tpu.memory_space<vmem>>, vector<16xi32>,
    %get3A_321 = arith.constant 880 : index
    %get3A_322 = tpu.vector_load %arg5[%get3A_321] {strides = array<i32>} : memref<1024xi32, #tpu.memory_space<vmem>>, vector<16xi32>,
    %gather3A_323 = tpu.vector_load_idx %arg7[%get3A_322] : memref<128xi32, #tpu.memory_space<vmem>>[vector<16xi32>], vector<16xi32>,
    %swap3A_324 = arith.constant 880 : index
    %swap3A_325 = tpu.vector_load %arg8[%swap3A_324] {strides = array<i32>} : memref<1024xi32, #tpu.memory_space<vmem>>, vector<16xi32>,
    tpu.vector_store %arg8[%swap3A_324], %gather3A_323 {strides = array<i32>} : memref<1024xi32, #tpu.memory_space<vmem>>, vector<16xi32>,
    %get3A_326 = arith.constant 896 : index
    %get3A_327 = tpu.vector_load %arg5[%get3A_326] {strides = array<i32>} : memref<1024xi32, #tpu.memory_space<vmem>>, vector<16xi32>,
    %gather3A_328 = tpu.vector_load_idx %arg7[%get3A_327] : memref<128xi32, #tpu.memory_space<vmem>>[vector<16xi32>], vector<16xi32>,
    %swap3A_329 = arith.constant 896 : index
    %swap3A_330 = tpu.vector_load %arg8[%swap3A_329] {strides = array<i32>} : memref<1024xi32, #tpu.memory_space<vmem>>, vector<16xi32>,
    tpu.vector_store %arg8[%swap3A_329], %gather3A_328 {strides = array<i32>} : memref<1024xi32, #tpu.memory_space<vmem>>, vector<16xi32>,
    %get3A_331 = arith.constant 912 : index
    %get3A_332 = tpu.vector_load %arg5[%get3A_331] {strides = array<i32>} : memref<1024xi32, #tpu.memory_space<vmem>>, vector<16xi32>,
    %gather3A_333 = tpu.vector_load_idx %arg7[%get3A_332] : memref<128xi32, #tpu.memory_space<vmem>>[vector<16xi32>], vector<16xi32>,
    %swap3A_334 = arith.constant 912 : index
    %swap3A_335 = tpu.vector_load %arg8[%swap3A_334] {strides = array<i32>} : memref<1024xi32, #tpu.memory_space<vmem>>, vector<16xi32>,
    tpu.vector_store %arg8[%swap3A_334], %gather3A_333 {strides = array<i32>} : memref<1024xi32, #tpu.memory_space<vmem>>, vector<16xi32>,
    %get3A_336 = arith.constant 928 : index
    %get3A_337 = tpu.vector_load %arg5[%get3A_336] {strides = array<i32>} : memref<1024xi32, #tpu.memory_space<vmem>>, vector<16xi32>,
    %gather3A_338 = tpu.vector_load_idx %arg7[%get3A_337] : memref<128xi32, #tpu.memory_space<vmem>>[vector<16xi32>], vector<16xi32>,
    %swap3A_339 = arith.constant 928 : index
    %swap3A_340 = tpu.vector_load %arg8[%swap3A_339] {strides = array<i32>} : memref<1024xi32, #tpu.memory_space<vmem>>, vector<16xi32>,
    tpu.vector_store %arg8[%swap3A_339], %gather3A_338 {strides = array<i32>} : memref<1024xi32, #tpu.memory_space<vmem>>, vector<16xi32>,
    %get3A_341 = arith.constant 944 : index
    %get3A_342 = tpu.vector_load %arg5[%get3A_341] {strides = array<i32>} : memref<1024xi32, #tpu.memory_space<vmem>>, vector<16xi32>,
    %gather3A_343 = tpu.vector_load_idx %arg7[%get3A_342] : memref<128xi32, #tpu.memory_space<vmem>>[vector<16xi32>], vector<16xi32>,
    %swap3A_344 = arith.constant 944 : index
    %swap3A_345 = tpu.vector_load %arg8[%swap3A_344] {strides = array<i32>} : memref<1024xi32, #tpu.memory_space<vmem>>, vector<16xi32>,
    tpu.vector_store %arg8[%swap3A_344], %gather3A_343 {strides = array<i32>} : memref<1024xi32, #tpu.memory_space<vmem>>, vector<16xi32>,
    %get3A_346 = arith.constant 960 : index
    %get3A_347 = tpu.vector_load %arg5[%get3A_346] {strides = array<i32>} : memref<1024xi32, #tpu.memory_space<vmem>>, vector<16xi32>,
    %gather3A_348 = tpu.vector_load_idx %arg7[%get3A_347] : memref<128xi32, #tpu.memory_space<vmem>>[vector<16xi32>], vector<16xi32>,
    %swap3A_349 = arith.constant 960 : index
    %swap3A_350 = tpu.vector_load %arg8[%swap3A_349] {strides = array<i32>} : memref<1024xi32, #tpu.memory_space<vmem>>, vector<16xi32>,
    tpu.vector_store %arg8[%swap3A_349], %gather3A_348 {strides = array<i32>} : memref<1024xi32, #tpu.memory_space<vmem>>, vector<16xi32>,
    %get3A_351 = arith.constant 976 : index
    %get3A_352 = tpu.vector_load %arg5[%get3A_351] {strides = array<i32>} : memref<1024xi32, #tpu.memory_space<vmem>>, vector<16xi32>,
    %gather3A_353 = tpu.vector_load_idx %arg7[%get3A_352] : memref<128xi32, #tpu.memory_space<vmem>>[vector<16xi32>], vector<16xi32>,
    %swap3A_354 = arith.constant 976 : index
    %swap3A_355 = tpu.vector_load %arg8[%swap3A_354] {strides = array<i32>} : memref<1024xi32, #tpu.memory_space<vmem>>, vector<16xi32>,
    tpu.vector_store %arg8[%swap3A_354], %gather3A_353 {strides = array<i32>} : memref<1024xi32, #tpu.memory_space<vmem>>, vector<16xi32>,
    %get3A_356 = arith.constant 992 : index
    %get3A_357 = tpu.vector_load %arg5[%get3A_356] {strides = array<i32>} : memref<1024xi32, #tpu.memory_space<vmem>>, vector<16xi32>,
    %gather3A_358 = tpu.vector_load_idx %arg7[%get3A_357] : memref<128xi32, #tpu.memory_space<vmem>>[vector<16xi32>], vector<16xi32>,
    %swap3A_359 = arith.constant 992 : index
    %swap3A_360 = tpu.vector_load %arg8[%swap3A_359] {strides = array<i32>} : memref<1024xi32, #tpu.memory_space<vmem>>, vector<16xi32>,
    tpu.vector_store %arg8[%swap3A_359], %gather3A_358 {strides = array<i32>} : memref<1024xi32, #tpu.memory_space<vmem>>, vector<16xi32>,
    %get3A_361 = arith.constant 1008 : index
    %get3A_362 = tpu.vector_load %arg5[%get3A_361] {strides = array<i32>} : memref<1024xi32, #tpu.memory_space<vmem>>, vector<16xi32>,
    %gather3A_363 = tpu.vector_load_idx %arg7[%get3A_362] : memref<128xi32, #tpu.memory_space<vmem>>[vector<16xi32>], vector<16xi32>,
    %swap3A_364 = arith.constant 1008 : index
    %swap3A_365 = tpu.vector_load %arg8[%swap3A_364] {strides = array<i32>} : memref<1024xi32, #tpu.memory_space<vmem>>, vector<16xi32>,
    tpu.vector_store %arg8[%swap3A_364], %gather3A_363 {strides = array<i32>} : memref<1024xi32, #tpu.memory_space<vmem>>, vector<16xi32>,
    "tpu.region"() ({
      %run_scoped3A = tpu.sem_alloc : memref<!tpu.dma_semaphore, #tpu.memory_space<semaphore_mem>>
      %dma_start3A_366 = tpu.memref_slice %arg4[%mul3A_0] : memref<16384xi32, #tpu.memory_space<hbm>> -> memref<1024xi32, #tpu.memory_space<hbm>>
      %dma_start3A_367 = tpu.memref_slice %arg4[%mul3A_0] : memref<16384xi32, #tpu.memory_space<hbm>> -> memref<1024xi32, #tpu.memory_space<hbm>>
      tpu.enqueue_dma source(%arg8 : memref<1024xi32, #tpu.memory_space<vmem>>) target(%dma_start3A_367 : memref<1024xi32, #tpu.memory_space<hbm>>) target_semaphore(%run_scoped3A : memref<!tpu.dma_semaphore, #tpu.memory_space<semaphore_mem>>)
      %dma_wait3A_368 = tpu.memref_slice %arg4[%mul3A_0] : memref<16384xi32, #tpu.memory_space<hbm>> -> memref<1024xi32, #tpu.memory_space<hbm>>
      %dma_wait3A_369 = tpu.memref_slice %arg4[%mul3A_0] : memref<16384xi32, #tpu.memory_space<hbm>> -> memref<1024xi32, #tpu.memory_space<hbm>>
      tpu.wait_dma2 semaphore(%run_scoped3A : memref<!tpu.dma_semaphore, #tpu.memory_space<semaphore_mem>>) src(%arg8 : memref<1024xi32, #tpu.memory_space<vmem>>) dst(%dma_wait3A_369 : memref<1024xi32, #tpu.memory_space<hbm>>)
      tpu.yield
    }) : () -> ()
    return
  }
}

</mosaic_0001>

<sc_bundles>
// kernel: kernel.3.cloned.1.call-start
scs
__scs_entry_jumppad:
0x0: {  	(pc) =	sbr.rel $0x88, $3  }
0x1: {  	(tag) =	ssettag $0x0;
	lr =	simm.s32 $0x1  }
0x2: {  	[smem:$0x3F9F] =	sst lr;
	_ =	strace $0xD0000000  }
0x3: {  	_ = 	snop  }
0x4: {  	_ = 	snop  }
0x5: {  	_ = 	snop  }
0x6: {  	_ = 	snop  }
0x7: {  	_ = 	snop  }
__scs_overlays_trampoline_lowered:
0x8: {  	[smem:$0x3FAE] =	sst s0  }
0x9: {  	[smem:$0x3FAF] =	sst s1  }
0xa: {  	[smem:$0x3FB0] =	sst s2  }
0xb: {  	[smem:$0x3FB1] =	sst s3  }
0xc: {  	[smem:$0x3FB2] =	sst s4  }
0xd: {  	[smem:$0x3FB3] =	sst s5  }
0xe: {  	[smem:$0x3FB4] =	sst s6  }
0xf: {  	[smem:$0x3FB5] =	sst s7  }
0x10: {  	[smem:$0x3FB6] =	sst s8  }
0x11: {  	[smem:$0x3FB7] =	sst s9;
	s0 =	simm.s32 @!p0 $0x0  }
0x12: {  	s1 =	sld [smem:$0x3F9D];
	s0 =	simm.s32 @p0 $0x1  }
0x13: {  	[smem:$0x3FB8] =	sst s0;
	s0 =	simm.s32 @!p1 $0x0  }
0x14: {  	s2 =	sld [smem:$0x3F9C];
	s0 =	simm.s32 @p1 $0x1  }
0x15: {  	[smem:$0x3FB9] =	sst s0;
	s0 =	simm.s32 @!p2 $0x0  }
0x16: {  	s3 =	sld [smem:$0x3FDB];
	s0 =	simm.s32 @p2 $0x1  }
0x17: {  	s4 =	simm.s32 $0x1BF5;
	[smem:$0x3FBB] =	sst s0  }
0x18: {  	s0 =	sld [smem:$0x3F9E];
	_ =	swait.ge [sflag:s4], $0x0  }
0x19: {  	s7 =	sld [smem:$0x3F9F]  }
0x1a: {  	s8 =	sadd.s32 $0xFFFFE003, lr  }
0x1b: {  	s9 =	sadd.s32 $0xFFFFFEF7, lr;
	s5 =	simm.s32 $0xFFFFFFFF;
	p2 =	slt.u32 s8, $0xFFFFF086  }
0x1c: {  	p1 =	slt.u32 s9, $0xF7A;
	s5 =	simm.s32 @!p2 $0x0  }
0x1d: {  	s5 =	simm.s32 @p1 $0x1;
	p0 =	seq.s32 s7, s2  }
0x1e: {  	s7 =	smul.u32 @!p0 $0xF7A, s2;
	p2 =	seq.s32 @!p0 s5, $0x0  }
0x1f: {  	s9 =	smul.u32 $0xF7A, s1;
	s8 =	simm.s32 @!p0 $0x1BF5;
	p2 =	por !p2, p0  }
0x20: {  	[sflag:s8] =	ssyncset.s32 @!p0 $0xFFFFF086;
	s6 =	sadd.s32 @!p0 s3, s7;
	s7 =	simm.s32 @!p0 $0x108  }
0x21: {  	s3 =	sadd.s32 s3, s9;
	s6 =	sadd.s32 @!p0 $0x88, s6;
	s7 =	simm.s32 @p2 $0x1082  }
0x22: {  	[simem:s7], [sflag:s8] =	dma.local @!p0 [hbm:s6], $0xF7A  }
0x23: {  	s9 =	sor.u32 $0xD0000000, s2;
	s6 =	simm.s32 $0x108;
	_ =	swait.ge @!p0 [sflag:s8], $0x0  }
0x24: {  	s3 =	sadd.s32 $0x88, s3;
	s6 =	simm.s32 @!p1 $0x1082;
	[sflag:s4] =	ssyncset.s32 $0xFFFFF086  }
0x25: {  	[simem:s6], [sflag:s4] =	dma.local [hbm:s3], $0xF7A  }
0x26: {  	[smem:$0x3F9F] =	sst s1;
	(tag) =	ssettag s2;
	_ =	strace s9  }
0x27: {  	s1 =	sld [smem:$0x3FAF]  }
0x28: {  	s2 =	sld [smem:$0x3FB0]  }
0x29: {  	s4 =	sld [smem:$0x3FB2]  }
0x2a: {  	p0 =	seq.s32 s5, $0x0;
	s5 =	sld [smem:$0x3FB3]  }
0x2b: {  	s6 =	sld [smem:$0x3FB4]  }
0x2c: {  	s7 =	sld [smem:$0x3FB5]  }
0x2d: {  	s3 =	simm.s32 $0x108;
	s8 =	sld [smem:$0x3FB6]  }
0x2e: {  	s3 =	simm.s32 @!p0 $0x1082;
	s9 =	sld [smem:$0x3FB7]  }
0x2f: {  	lr =	sadd.s32 s0, s3;
	s0 =	sld [smem:$0x3FAE]  }
0x30: {  	s3 =	sld [smem:$0x3FB1]  }
0x31: {  	[smem:$0x3FBA] =	sst s10  }
0x32: {  	s10 =	sld [smem:$0x3FB8];
	_ =	sdelay $0x3  }
0x33: {  	p0 =	seq.s32 s10, $0x1;
	s10 =	sld [smem:$0x3FBA];
	_ =	sdelay $0x3  }
0x34: {  	[smem:$0x3FBA] =	sst s10  }
0x35: {  	s10 =	sld [smem:$0x3FB9];
	_ =	sdelay $0x3  }
0x36: {  	p1 =	seq.s32 s10, $0x1;
	s10 =	sld [smem:$0x3FBA];
	_ =	sdelay $0x3  }
0x37: {  	[smem:$0x3FBA] =	sst s10  }
0x38: {  	s10 =	sld [smem:$0x3FBB]  }
0x39: {  	_ = 	snop;
	(pc) =	sbr.ind lr, $3  }
0x3a: {  	_ = 	snop  }
0x3b: {  	_ = 	snop  }
0x3c: {  	p2 =	seq.s32 s10, $0x1;
	s10 =	sld [smem:$0x3FBA]  }
0x3d: {  	_ =	shalt  }
0x3e: {  	_ =	shalt  }
0x3f: {  	_ =	shalt  }
0x40: {  	_ =	shalt  }
0x41: {  	_ =	shalt  }
0x42: {  	_ =	shalt  }
0x43: {  	_ =	shalt  }
0x44: {  	_ =	shalt  }
0x45: {  	_ =	shalt  }
0x46: {  	_ =	shalt  }
0x47: {  	_ =	shalt  }
0x48: {  	_ =	shalt  }
0x49: {  	_ =	shalt  }
0x4a: {  	_ =	shalt  }
0x4b: {  	_ =	shalt  }
0x4c: {  	_ =	shalt  }
0x4d: {  	_ =	shalt  }
0x4e: {  	_ =	shalt  }
0x4f: {  	_ =	shalt  }
0x50: {  	_ =	shalt  }
0x51: {  	_ =	shalt  }
0x52: {  	_ =	shalt  }
0x53: {  	_ =	shalt  }
0x54: {  	_ =	shalt  }
0x55: {  	_ =	shalt  }
0x56: {  	_ =	shalt  }
0x57: {  	_ =	shalt  }
0x58: {  	_ =	shalt  }
0x59: {  	_ =	shalt  }
0x5a: {  	_ =	shalt  }
0x5b: {  	_ =	shalt  }
0x5c: {  	_ =	shalt  }
0x5d: {  	_ =	shalt  }
0x5e: {  	_ =	shalt  }
0x5f: {  	_ =	shalt  }
0x60: {  	_ =	shalt  }
0x61: {  	_ =	shalt  }
0x62: {  	_ =	shalt  }
0x63: {  	_ =	shalt  }
0x64: {  	_ =	shalt  }
0x65: {  	_ =	shalt  }
0x66: {  	_ =	shalt  }
0x67: {  	_ =	shalt  }
0x68: {  	_ =	shalt  }
0x69: {  	_ =	shalt  }
0x6a: {  	_ =	shalt  }
0x6b: {  	_ =	shalt  }
0x6c: {  	_ =	shalt  }
0x6d: {  	_ =	shalt  }
0x6e: {  	_ =	shalt  }
0x6f: {  	_ =	shalt  }
0x70: {  	_ =	shalt  }
0x71: {  	_ =	shalt  }
0x72: {  	_ =	shalt  }
0x73: {  	_ =	shalt  }
0x74: {  	_ =	shalt  }
0x75: {  	_ =	shalt  }
0x76: {  	_ =	shalt  }
0x77: {  	_ =	shalt  }
0x78: {  	_ =	shalt  }
0x79: {  	_ =	shalt  }
0x7a: {  	_ =	shalt  }
0x7b: {  	_ =	shalt  }
0x7c: {  	_ =	shalt  }
0x7d: {  	_ =	shalt  }
0x7e: {  	_ =	shalt  }
0x7f: {  	_ =	shalt  }
0x80: {  	_ =	shalt  }
0x81: {  	_ =	shalt  }
0x82: {  	_ =	shalt  }
0x83: {  	_ =	shalt  }
0x84: {  	_ =	shalt  }
0x85: {  	_ =	shalt  }
0x86: {  	_ =	shalt  }
0x87: {  	_ =	shalt  }
.Lfunc_end0:
.L_simem_size_0:
called_computation_lowered:
.L_overlay_start_0:
0x88: {  	s0 =	sld [smem:$0x3FD9]  }
0x89: {  	s1 =	sld [smem:$0x3FFE];
	_ =	sdelay $0x3  }
0x8a: {  	s0 =	sadd.s32 s1, s0  }
0x8b: {  	[smem:$0x3FC6] =	sst s0  }
0x8c: {  	_ = 	snop  }
0x8d: {  	s0 =	sld [smem:$0x3FC9]  }
0x8e: {  	s17 =	sld [smem:$0x3FC8]  }
0x8f: {  	s2 =	sld [smem:$0x3FD0];
	(tm) =	ssettm $0x1  }
0x90: {  	s3 =	sld [smem:$0x3FFB];
	_ =	sdelay $0x3  }
0x91: {  	_ =	strace s3  }
0x92: {  	s3 =	sld [smem:$0x3FFC];
	_ =	sdelay $0x3  }
0x93: {  	_ =	strace s3  }
0x94: {  	s3 =	sld [smem:$0x3FFD];
	_ =	sdelay $0x3  }
0x95: {  	_ =	strace s3  }
0x96: {  	_ =	strace $0x8FFFFFFF  }
0x97: {  	s18 =	sld [smem:$0x3FDB];
	_ =	sdelay $0x1  }
0x98: {  	s4 =	simm.s32 $_scs_section_size  }
0x99: {  	s5 =	simm.s32 $_size__tile_overlayer_lowered;
	s6 =	simm.s32 $_tile_overlayer_lowered  }
0x9a: {  	s21 =	simm.s32 $0x1BFF;
	s20 =	sshll.u32 s6, $0x1;
	s3 =	sadd.s32 s4, s18  }
0x9b: {  	s7 =	simm.s32 $0x0;
	s19 =	sshll.u32 s5, $0x1;
	s5 =	sadd.s32 s20, s3  }
0x9c: {  	[timem:s7], [sflag:s21] =	dma.local [hbm:s5], s19  }
0x9d: {  	_ =	swait.ge [sflag:s21], s19  }
0x9e: {  	s4 =	ssub.s32 $0x0, s19;
	[sflag:s21] =	ssyncset.done $0x0  }
0x9f: {  	[sflag:s21] =	ssyncadd.s32 s4;
	_ =	sdelay $0x1  }
0xa0: {  	s22 =	simm.s32 $0x1B8B  }
0xa1: {  	_ =	swait.ge [sflag:s22], $0x1  }
0xa2: {  	[sflag:s22] =	ssyncset.done $0x0  }
0xa3: {  	s23 =	simm.s32 $0x1B8E;
	[sflag:s22] =	ssyncadd.s32 $0xFFFFFFFF  }
0xa4: {  	s24 =	simm.s32 $execute0_lowered;
	[smem:$0x3FD2] =	sst s23  }
0xa5: {  	s4 =	sshll.u32 s24, $0x1;
	_ =	strace $0x80000046;
	[dreg:$0x1] =	wrdreg $0xFFFFFFFF  }
0xa6: {  	s25 =	simm.s32 $_size_execute0_lowered;
	s3 =	sadd.s32 s3, s4;
	[dreg:$0x0] =	wrdreg $0x0  }
0xa7: {  	s4 =	sshll.u32 s25, $0x1;
	[dreg:$0x2] =	wrdreg s3  }
0xa8: {  	[dreg:$0x3] =	wrdreg s4  }
0xa9: {  	[dreg:$0x4] =	wrdreg $0xC0  }
0xaa: {  	_ =	task [dreg:s7], $0x5FFFF  }
0xab: {  	[dreg:$0x1] =	wrdreg $0xFFFFFFFF  }
0xac: {  	[dreg:$0x0] =	wrdreg $0x60  }
0xad: {  	[dreg:$0x2] =	wrdreg s0  }
0xae: {  	[dreg:$0x3] =	wrdreg s17  }
0xaf: {  	[dreg:$0x4] =	wrdreg s2  }
0xb0: {  	[dreg:$0x5] =	wrdreg $0x9  }
0xb1: {  	_ =	task.clear_ibuf [dreg:s7], $0x6FFFF;
	_ =	strace $0x90000046  }
0xb2: {  	s26 =	simm.s32 $0x9;
	_ =	strace $0x80000048  }
0xb3: {  	_ =	swait.ge [sflag:s26], $0x1  }
0xb4: {  	[sflag:s26] =	ssyncadd.s32 $0xFFFFFFFF  }
0xb5: {  	_ =	strace $0x90000048  }
0xb6: {  	_ =	sfence  }
0xb7: {  	s28 =	sld [smem:$0x0];
	_ =	sdelay $0x1  }
0xb8: {  	s29 =	srdreg.scid  }
0xb9: {  	s30 =	sshll.u32 s29, $0xD;
	s31 =	sshrl.u32 s29, $0x2  }
0xba: {  	s1 =	sand.u32 $0x1, s29;
	s2 =	sand.u32 $0x4000, s30;
	s0 =	sadd.s32 s31, s28  }
0xbb: {  	s1 =	sor.u32 s2, s1;
	s0 =	sshll.u32 s0, $0x11  }
0xbc: {  	s0 =	sor.u32 s0, s1  }
0xbd: {  	s0 =	sadd.s32 $0x8F2B, s0  }
0xbe: {  	[sflag:s0] =	ssyncadd.remote.s32 $0x1  }
0xbf: {  	_ =	sfence.sel $0xFFFF  }
0xc0: {  	[dreg:$0x0] =	wrdreg $0xFFFFFFFF;
	(pc) =	sbr.abs _section_cstart, $3  }
0xc1: {  	[dreg:$0x1] =	wrdreg $0xFFFFFFFF  }
0xc2: {  	_ =	task.clear_ibuf [dreg:s7], $0x2FFFF;
	_ =	strace $0x9FFFFFFF  }
0xc3: {  	(tm) =	ssettm $0x7FFFFFFF  }
tec
execute0_lowered:
.L_overlay_start_1:
0x0: {  	(tag) =	ssettag $0x1  }
0x1: {  	s5 =	rddreg [dreg:$0x0]  }
0x2: {  	s6 =	rddreg [dreg:$0x1]  }
0x3: {  	s3 =	rddreg [dreg:$0x2];
	s2 =	simm.s32 $0x0;
	s1 =	stileid.u32  }
0x4: {  	[smem:$0x7FF] =	sst s2;
	s4 =	sshll.u32 s1, $0x7  }
0x5: {  	s0 =	rddreg [dreg:$0x3];
	_ =	strace $0x80000047;
	s5 =	sadd.s32 s5, s4  }
0x6: {  	[tilespmem:s2], [sflag:$0x1] =	stream.linear.gather [hbm4b:s5+s2], $0x400, $0x38;
	[tilespmem:$0x900] =	vst v63  }
0x7: {  	s25 =	simm.s32 $0x400;
	s26 =	simm.s32 $0x2  }
0x8: {  	[tilespmem:s25], [sflag:$0x2] =	stream.linear.gather [hbm4b:s6+s2], $0x80, $0x38;
	[tilespmem:$0x900] =	vst v63  }
0x9: {  	_ =	swait.ge [sflag:s26], $0x80  }
0xa: {  	[sflag:s26] =	ssyncset.done $0x0  }
0xb: {  	[sflag:s26] =	ssyncadd.s32 $0xFFFFFF80  }
0xc: {  	v0 =	vld [tilespmem:$0x400];
	_ =	sdelay $0x6  }
0xd: {  	v1 =	vlaneseq.u32;
	s28 =	simm.s32 $0x480  }
0xe: {  	[tilespmem:v0+s28+$0x0] =	vst.idx.msk $0xffff, v1  }
0xf: {  	v0 =	vld [tilespmem:$0x410];
	_ =	sdelay $0x6  }
0x10: {  	v2 =	vor.u32 $0x10, v1  }
0x11: {  	[tilespmem:v0+s28+$0x0] =	vst.idx.msk $0xffff, v2  }
0x12: {  	v0 =	vld [tilespmem:$0x420];
	_ =	sdelay $0x6  }
0x13: {  	v55 =	vor.u32 $0x20, v1  }
0x14: {  	[tilespmem:v0+s28+$0x0] =	vst.idx.msk $0xffff, v55  }
0x15: {  	v0 =	vld [tilespmem:$0x430];
	_ =	sdelay $0x6  }
0x16: {  	v56 =	vor.u32 $0x30, v1  }
0x17: {  	[tilespmem:v0+s28+$0x0] =	vst.idx.msk $0xffff, v56  }
0x18: {  	v0 =	vld [tilespmem:$0x440];
	_ =	sdelay $0x6  }
0x19: {  	v57 =	vor.u32 $0x40, v1  }
0x1a: {  	[tilespmem:v0+s28+$0x0] =	vst.idx.msk $0xffff, v57  }
0x1b: {  	v0 =	vld [tilespmem:$0x450];
	_ =	sdelay $0x6  }
0x1c: {  	v58 =	vor.u32 $0x50, v1  }
0x1d: {  	[tilespmem:v0+s28+$0x0] =	vst.idx.msk $0xffff, v58  }
0x1e: {  	v0 =	vld [tilespmem:$0x460];
	_ =	sdelay $0x6  }
0x1f: {  	v59 =	vor.u32 $0x60, v1  }
0x20: {  	[tilespmem:v0+s28+$0x0] =	vst.idx.msk $0xffff, v59  }
0x21: {  	v0 =	vld [tilespmem:$0x470];
	_ =	sdelay $0x6  }
0x22: {  	v1 =	vor.u32 $0x70, v1  }
0x23: {  	s29 =	simm.s32 $0x1;
	[tilespmem:v0+s28+$0x0] =	vst.idx.msk $0xffff, v1  }
0x24: {  	_ =	swait.ge [sflag:s29], $0x400  }
0x25: {  	[sflag:s29] =	ssyncset.done $0x0  }
0x26: {  	[sflag:s29] =	ssyncadd.s32 $0xFFFFFC00  }
0x27: {  	v60 =	vld [tilespmem:$0x0];
	_ =	sdelay $0x5  }
0x28: {  	v61 =	vld [tilespmem:$0x10];
	_ =	sdelay $0x1  }
0x29: {  	v0 =	vld.idx.msk [tilespmem:v60+s28+$0x0], $0xffff;
	_ =	sdelay $0x3  }
0x2a: {  	v62 =	vld [tilespmem:$0x20]  }
0x2b: {  	[tilespmem:$0x500] =	vst v0  }
0x2c: {  	v0 =	vld.idx.msk [tilespmem:v61+s28+$0x0], $0xffff;
	_ =	sdelay $0x3  }
0x2d: {  	v63 =	vld [tilespmem:$0x30]  }
0x2e: {  	[tilespmem:$0x510] =	vst v0  }
0x2f: {  	v0 =	vld.idx.msk [tilespmem:v62+s28+$0x0], $0xffff;
	_ =	sdelay $0x3  }
0x30: {  	v4 =	vld [tilespmem:$0x40]  }
0x31: {  	[tilespmem:$0x520] =	vst v0  }
0x32: {  	v0 =	vld.idx.msk [tilespmem:v63+s28+$0x0], $0xffff;
	_ =	sdelay $0x3  }
0x33: {  	v5 =	vld [tilespmem:$0x50]  }
0x34: {  	[tilespmem:$0x530] =	vst v0  }
0x35: {  	v0 =	vld.idx.msk [tilespmem:v4+s28+$0x0], $0xffff;
	_ =	sdelay $0x3  }
0x36: {  	v6 =	vld [tilespmem:$0x60]  }
0x37: {  	[tilespmem:$0x540] =	vst v0  }
0x38: {  	v0 =	vld.idx.msk [tilespmem:v5+s28+$0x0], $0xffff;
	_ =	sdelay $0x3  }
0x39: {  	v7 =	vld [tilespmem:$0x70]  }
0x3a: {  	[tilespmem:$0x550] =	vst v0  }
0x3b: {  	v0 =	vld.idx.msk [tilespmem:v6+s28+$0x0], $0xffff;
	_ =	sdelay $0x3  }
0x3c: {  	v8 =	vld [tilespmem:$0x80]  }
0x3d: {  	[tilespmem:$0x560] =	vst v0  }
0x3e: {  	v0 =	vld.idx.msk [tilespmem:v7+s28+$0x0], $0xffff;
	_ =	sdelay $0x3  }
0x3f: {  	v9 =	vld [tilespmem:$0x90]  }
0x40: {  	[tilespmem:$0x570] =	vst v0  }
0x41: {  	v0 =	vld.idx.msk [tilespmem:v8+s28+$0x0], $0xffff;
	_ =	sdelay $0x3  }
0x42: {  	v10 =	vld [tilespmem:$0xA0]  }
0x43: {  	[tilespmem:$0x580] =	vst v0  }
0x44: {  	v0 =	vld.idx.msk [tilespmem:v9+s28+$0x0], $0xffff;
	_ =	sdelay $0x3  }
0x45: {  	v11 =	vld [tilespmem:$0xB0]  }
0x46: {  	[tilespmem:$0x590] =	vst v0  }
0x47: {  	v0 =	vld.idx.msk [tilespmem:v10+s28+$0x0], $0xffff;
	_ =	sdelay $0x3  }
0x48: {  	v12 =	vld [tilespmem:$0xC0]  }
0x49: {  	[tilespmem:$0x5A0] =	vst v0  }
0x4a: {  	v0 =	vld.idx.msk [tilespmem:v11+s28+$0x0], $0xffff;
	_ =	sdelay $0x3  }
0x4b: {  	v13 =	vld [tilespmem:$0xD0]  }
0x4c: {  	[tilespmem:$0x5B0] =	vst v0  }
0x4d: {  	v0 =	vld.idx.msk [tilespmem:v12+s28+$0x0], $0xffff;
	_ =	sdelay $0x3  }
0x4e: {  	v14 =	vld [tilespmem:$0xE0]  }
0x4f: {  	[tilespmem:$0x5C0] =	vst v0  }
0x50: {  	v0 =	vld.idx.msk [tilespmem:v13+s28+$0x0], $0xffff;
	_ =	sdelay $0x3  }
0x51: {  	v15 =	vld [tilespmem:$0xF0]  }
0x52: {  	[tilespmem:$0x5D0] =	vst v0  }
0x53: {  	v0 =	vld.idx.msk [tilespmem:v14+s28+$0x0], $0xffff;
	_ =	sdelay $0x3  }
0x54: {  	v16 =	vld [tilespmem:$0x100]  }
0x55: {  	[tilespmem:$0x5E0] =	vst v0  }
0x56: {  	v0 =	vld.idx.msk [tilespmem:v15+s28+$0x0], $0xffff;
	_ =	sdelay $0x3  }
0x57: {  	v17 =	vld [tilespmem:$0x110]  }
0x58: {  	[tilespmem:$0x5F0] =	vst v0  }
0x59: {  	v0 =	vld.idx.msk [tilespmem:v16+s28+$0x0], $0xffff;
	_ =	sdelay $0x3  }
0x5a: {  	v18 =	vld [tilespmem:$0x120]  }
0x5b: {  	[tilespmem:$0x600] =	vst v0  }
0x5c: {  	v0 =	vld.idx.msk [tilespmem:v17+s28+$0x0], $0xffff;
	_ =	sdelay $0x3  }
0x5d: {  	v19 =	vld [tilespmem:$0x130]  }
0x5e: {  	[tilespmem:$0x610] =	vst v0  }
0x5f: {  	v0 =	vld.idx.msk [tilespmem:v18+s28+$0x0], $0xffff;
	_ =	sdelay $0x3  }
0x60: {  	v20 =	vld [tilespmem:$0x140]  }
0x61: {  	[tilespmem:$0x620] =	vst v0  }
0x62: {  	v0 =	vld.idx.msk [tilespmem:v19+s28+$0x0], $0xffff;
	_ =	sdelay $0x3  }
0x63: {  	v21 =	vld [tilespmem:$0x150]  }
0x64: {  	[tilespmem:$0x630] =	vst v0  }
0x65: {  	v0 =	vld.idx.msk [tilespmem:v20+s28+$0x0], $0xffff;
	_ =	sdelay $0x3  }
0x66: {  	v22 =	vld [tilespmem:$0x160]  }
0x67: {  	[tilespmem:$0x640] =	vst v0  }
0x68: {  	v0 =	vld.idx.msk [tilespmem:v21+s28+$0x0], $0xffff;
	_ =	sdelay $0x3  }
0x69: {  	v23 =	vld [tilespmem:$0x170]  }
0x6a: {  	[tilespmem:$0x650] =	vst v0  }
0x6b: {  	v0 =	vld.idx.msk [tilespmem:v22+s28+$0x0], $0xffff;
	_ =	sdelay $0x3  }
0x6c: {  	v24 =	vld [tilespmem:$0x180]  }
0x6d: {  	[tilespmem:$0x660] =	vst v0  }
0x6e: {  	v0 =	vld.idx.msk [tilespmem:v23+s28+$0x0], $0xffff;
	_ =	sdelay $0x3  }
0x6f: {  	v25 =	vld [tilespmem:$0x190]  }
0x70: {  	[tilespmem:$0x670] =	vst v0  }
0x71: {  	v0 =	vld.idx.msk [tilespmem:v24+s28+$0x0], $0xffff;
	_ =	sdelay $0x3  }
0x72: {  	v26 =	vld [tilespmem:$0x1A0]  }
0x73: {  	[tilespmem:$0x680] =	vst v0  }
0x74: {  	v0 =	vld.idx.msk [tilespmem:v25+s28+$0x0], $0xffff;
	_ =	sdelay $0x3  }
0x75: {  	v27 =	vld [tilespmem:$0x1B0]  }
0x76: {  	[tilespmem:$0x690] =	vst v0  }
0x77: {  	v0 =	vld.idx.msk [tilespmem:v26+s28+$0x0], $0xffff;
	_ =	sdelay $0x3  }
0x78: {  	v28 =	vld [tilespmem:$0x1C0]  }
0x79: {  	[tilespmem:$0x6A0] =	vst v0  }
0x7a: {  	v0 =	vld.idx.msk [tilespmem:v27+s28+$0x0], $0xffff;
	_ =	sdelay $0x3  }
0x7b: {  	v29 =	vld [tilespmem:$0x1D0]  }
0x7c: {  	[tilespmem:$0x6B0] =	vst v0  }
0x7d: {  	v0 =	vld.idx.msk [tilespmem:v28+s28+$0x0], $0xffff;
	_ =	sdelay $0x3  }
0x7e: {  	v30 =	vld [tilespmem:$0x1E0]  }
0x7f: {  	[tilespmem:$0x6C0] =	vst v0  }
0x80: {  	v0 =	vld.idx.msk [tilespmem:v29+s28+$0x0], $0xffff;
	_ =	sdelay $0x3  }
0x81: {  	v31 =	vld [tilespmem:$0x1F0]  }
0x82: {  	[tilespmem:$0x6D0] =	vst v0  }
0x83: {  	v0 =	vld.idx.msk [tilespmem:v30+s28+$0x0], $0xffff;
	_ =	sdelay $0x3  }
0x84: {  	v32 =	vld [tilespmem:$0x200]  }
0x85: {  	[tilespmem:$0x6E0] =	vst v0  }
0x86: {  	v0 =	vld.idx.msk [tilespmem:v31+s28+$0x0], $0xffff;
	_ =	sdelay $0x3  }
0x87: {  	v33 =	vld [tilespmem:$0x210]  }
0x88: {  	[tilespmem:$0x6F0] =	vst v0  }
0x89: {  	v0 =	vld.idx.msk [tilespmem:v32+s28+$0x0], $0xffff;
	_ =	sdelay $0x3  }
0x8a: {  	v34 =	vld [tilespmem:$0x220]  }
0x8b: {  	[tilespmem:$0x700] =	vst v0  }
0x8c: {  	v0 =	vld.idx.msk [tilespmem:v33+s28+$0x0], $0xffff;
	_ =	sdelay $0x3  }
0x8d: {  	v35 =	vld [tilespmem:$0x230]  }
0x8e: {  	[tilespmem:$0x710] =	vst v0  }
0x8f: {  	v0 =	vld.idx.msk [tilespmem:v34+s28+$0x0], $0xffff;
	_ =	sdelay $0x3  }
0x90: {  	v36 =	vld [tilespmem:$0x240]  }
0x91: {  	[tilespmem:$0x720] =	vst v0  }
0x92: {  	v0 =	vld.idx.msk [tilespmem:v35+s28+$0x0], $0xffff;
	_ =	sdelay $0x3  }
0x93: {  	v37 =	vld [tilespmem:$0x250]  }
0x94: {  	[tilespmem:$0x730] =	vst v0  }
0x95: {  	v0 =	vld.idx.msk [tilespmem:v36+s28+$0x0], $0xffff;
	_ =	sdelay $0x3  }
0x96: {  	v38 =	vld [tilespmem:$0x260]  }
0x97: {  	[tilespmem:$0x740] =	vst v0  }
0x98: {  	v0 =	vld.idx.msk [tilespmem:v37+s28+$0x0], $0xffff;
	_ =	sdelay $0x3  }
0x99: {  	v39 =	vld [tilespmem:$0x270]  }
0x9a: {  	[tilespmem:$0x750] =	vst v0  }
0x9b: {  	v0 =	vld.idx.msk [tilespmem:v38+s28+$0x0], $0xffff;
	_ =	sdelay $0x3  }
0x9c: {  	v40 =	vld [tilespmem:$0x280]  }
0x9d: {  	[tilespmem:$0x760] =	vst v0  }
0x9e: {  	v0 =	vld.idx.msk [tilespmem:v39+s28+$0x0], $0xffff;
	_ =	sdelay $0x3  }
0x9f: {  	v41 =	vld [tilespmem:$0x290]  }
0xa0: {  	[tilespmem:$0x770] =	vst v0  }
0xa1: {  	v0 =	vld.idx.msk [tilespmem:v40+s28+$0x0], $0xffff;
	_ =	sdelay $0x3  }
0xa2: {  	v42 =	vld [tilespmem:$0x2A0]  }
0xa3: {  	[tilespmem:$0x780] =	vst v0  }
0xa4: {  	v0 =	vld.idx.msk [tilespmem:v41+s28+$0x0], $0xffff;
	_ =	sdelay $0x3  }
0xa5: {  	v43 =	vld [tilespmem:$0x2B0]  }
0xa6: {  	[tilespmem:$0x790] =	vst v0  }
0xa7: {  	v0 =	vld.idx.msk [tilespmem:v42+s28+$0x0], $0xffff;
	_ =	sdelay $0x3  }
0xa8: {  	v44 =	vld [tilespmem:$0x2C0]  }
0xa9: {  	[tilespmem:$0x7A0] =	vst v0  }
0xaa: {  	v0 =	vld.idx.msk [tilespmem:v43+s28+$0x0], $0xffff;
	_ =	sdelay $0x3  }
0xab: {  	v45 =	vld [tilespmem:$0x2D0]  }
0xac: {  	[tilespmem:$0x7B0] =	vst v0  }
0xad: {  	v0 =	vld.idx.msk [tilespmem:v44+s28+$0x0], $0xffff;
	_ =	sdelay $0x3  }
0xae: {  	v46 =	vld [tilespmem:$0x2E0]  }
0xaf: {  	[tilespmem:$0x7C0] =	vst v0  }
0xb0: {  	v0 =	vld.idx.msk [tilespmem:v45+s28+$0x0], $0xffff;
	_ =	sdelay $0x3  }
0xb1: {  	v47 =	vld [tilespmem:$0x2F0]  }
0xb2: {  	[tilespmem:$0x7D0] =	vst v0  }
0xb3: {  	v0 =	vld.idx.msk [tilespmem:v46+s28+$0x0], $0xffff;
	_ =	sdelay $0x3  }
0xb4: {  	v48 =	vld [tilespmem:$0x300]  }
0xb5: {  	[tilespmem:$0x7E0] =	vst v0  }
0xb6: {  	v0 =	vld.idx.msk [tilespmem:v47+s28+$0x0], $0xffff;
	_ =	sdelay $0x3  }
0xb7: {  	v49 =	vld [tilespmem:$0x310]  }
0xb8: {  	[tilespmem:$0x7F0] =	vst v0  }
0xb9: {  	v0 =	vld.idx.msk [tilespmem:v48+s28+$0x0], $0xffff;
	_ =	sdelay $0x3  }
0xba: {  	v50 =	vld [tilespmem:$0x320]  }
0xbb: {  	[tilespmem:$0x800] =	vst v0  }
0xbc: {  	v0 =	vld.idx.msk [tilespmem:v49+s28+$0x0], $0xffff;
	_ =	sdelay $0x3  }
0xbd: {  	v51 =	vld [tilespmem:$0x330]  }
0xbe: {  	[tilespmem:$0x810] =	vst v0  }
0xbf: {  	v0 =	vld.idx.msk [tilespmem:v50+s28+$0x0], $0xffff;
	_ =	sdelay $0x3  }
0xc0: {  	v52 =	vld [tilespmem:$0x340]  }
0xc1: {  	[tilespmem:$0x820] =	vst v0  }
0xc2: {  	v0 =	vld.idx.msk [tilespmem:v51+s28+$0x0], $0xffff;
	_ =	sdelay $0x3  }
0xc3: {  	v53 =	vld [tilespmem:$0x350]  }
0xc4: {  	[tilespmem:$0x830] =	vst v0  }
0xc5: {  	v0 =	vld.idx.msk [tilespmem:v52+s28+$0x0], $0xffff;
	_ =	sdelay $0x3  }
0xc6: {  	v54 =	vld [tilespmem:$0x360]  }
0xc7: {  	[tilespmem:$0x840] =	vst v0  }
0xc8: {  	v0 =	vld.idx.msk [tilespmem:v53+s28+$0x0], $0xffff;
	_ =	sdelay $0x3  }
0xc9: {  	v55 =	vld [tilespmem:$0x370]  }
0xca: {  	[tilespmem:$0x850] =	vst v0  }
0xcb: {  	v0 =	vld.idx.msk [tilespmem:v54+s28+$0x0], $0xffff;
	_ =	sdelay $0x3  }
0xcc: {  	v56 =	vld [tilespmem:$0x380]  }
0xcd: {  	[tilespmem:$0x860] =	vst v0  }
0xce: {  	v0 =	vld.idx.msk [tilespmem:v55+s28+$0x0], $0xffff;
	_ =	sdelay $0x3  }
0xcf: {  	v57 =	vld [tilespmem:$0x390]  }
0xd0: {  	[tilespmem:$0x870] =	vst v0  }
0xd1: {  	v0 =	vld.idx.msk [tilespmem:v56+s28+$0x0], $0xffff;
	_ =	sdelay $0x3  }
0xd2: {  	v58 =	vld [tilespmem:$0x3A0]  }
0xd3: {  	[tilespmem:$0x880] =	vst v0  }
0xd4: {  	v0 =	vld.idx.msk [tilespmem:v57+s28+$0x0], $0xffff;
	_ =	sdelay $0x3  }
0xd5: {  	v59 =	vld [tilespmem:$0x3B0]  }
0xd6: {  	[tilespmem:$0x890] =	vst v0  }
0xd7: {  	v0 =	vld.idx.msk [tilespmem:v58+s28+$0x0], $0xffff;
	_ =	sdelay $0x3  }
0xd8: {  	v60 =	vld [tilespmem:$0x3C0]  }
0xd9: {  	[tilespmem:$0x8A0] =	vst v0  }
0xda: {  	v0 =	vld.idx.msk [tilespmem:v59+s28+$0x0], $0xffff;
	_ =	sdelay $0x3  }
0xdb: {  	v61 =	vld [tilespmem:$0x3D0]  }
0xdc: {  	[tilespmem:$0x8B0] =	vst v0  }
0xdd: {  	v0 =	vld.idx.msk [tilespmem:v60+s28+$0x0], $0xffff;
	_ =	sdelay $0x3  }
0xde: {  	v62 =	vld [tilespmem:$0x3E0]  }
0xdf: {  	[tilespmem:$0x8C0] =	vst v0  }
0xe0: {  	v0 =	vld.idx.msk [tilespmem:v61+s28+$0x0], $0xffff;
	_ =	sdelay $0x3  }
0xe1: {  	v63 =	vld [tilespmem:$0x3F0]  }
0xe2: {  	[tilespmem:$0x8D0] =	vst v0  }
0xe3: {  	v0 =	vld.idx.msk [tilespmem:v62+s28+$0x0], $0xffff;
	_ =	sdelay $0x4  }
0xe4: {  	[tilespmem:$0x8E0] =	vst v0  }
0xe5: {  	v0 =	vld.idx.msk [tilespmem:v63+s28+$0x0], $0xffff;
	_ =	sdelay $0x4  }
0xe6: {  	s30 =	simm.s32 $0x500;
	s31 =	simm.s32 $0x3;
	s3 =	sadd.s32 s3, s4;
	[tilespmem:$0x8F0] =	vst v0  }
0xe7: {  	[hbm4b:s3+s2] =	stream.linear.scatter [tilespmem:s30], [sflag:$0x3], $0x400, $0x38;
	[tilespmem:$0x900] =	vst v63  }
0xe8: {  	_ =	swait.ge [sflag:s31], $0x400  }
0xe9: {  	[sflag:s31] =	ssyncset.done $0x0  }
0xea: {  	[sflag:s31] =	ssyncadd.s32 $0xFFFFFC00  }
0xeb: {  	_ =	sfence.sel $0x180000  }
0xec: {  	[bflag:$0x0] =	sbarrier.arrive $0xFFFF  }
0xed: {  	p0 =	sne.s32 s1, $0x0;
	_ =	strace $0x90000047  }
0xee: {  	s0 =	sadd.s32 @!p0 $0x100000, s0;
	[bflag:$0x2] =	sbarrier.arrive $0xFFFF  }
0xef: {  	[sflag:s0] =	ssyncadd.tile.s32 @!p0 $0x1;
	_ =	shalt  }
.Lfunc_end2:
_tile_overlayer_lowered:
.L_overlay_start_2:
0xf0: {  	(tag) =	ssettag $0x2  }
0xf1: {  	s0 =	rddreg [dreg:$0x0];
	s2 =	stileid.u32  }
0xf2: {  	s1 =	rddreg [dreg:$0x1];
	p0 =	sne.s32 s2, $0x0  }
0xf3: {  	s3 =	rddreg [dreg:$0x2];
	[bflag:$0x3] =	sbarrier.arrive $0xFFFF;
	s2 =	simm.s32 @!p0 $0x1C03  }
0xf4: {  	[timem:s3], [sflag:s2] =	dma.local @!p0 [hbm:s0], s1  }
0xf5: {  	s0 =	simm.s32 @!p0 $0x3  }
0xf6: {  	_ =	swait.ge @!p0 [sflag:s0], s1  }
0xf7: {  	s1 =	ssub.s32 @!p0 $0x0, s1;
	[sflag:s0] =	ssyncset.done @!p0 $0x0  }
0xf8: {  	[sflag:s0] =	ssyncadd.s32 @!p0 s1  }
0xf9: {  	[bflag:$0x3] =	sbarrier.arrive $0xFFFF  }
0xfa: {  	_ =	shalt  }

</sc_bundles>
